<compile_context>
chip_gen: v7x
topology: tpu7x:2x2x1
jax: 0.10.2.dev20260603
libtpu: 0.0.44.dev20260713+nightly
codegen_flags: <defaults>
</compile_context>

<pallas_src>
import functools

import jax
import jax.numpy as jnp
from jax import lax
from jax.experimental import pallas as pl
from jax.experimental.pallas import tpu as pltpu
from jax.experimental.pallas import tpu_sc as plsc

_NC = 2
_NS = 16
_NW = _NC * _NS
_W = 80
_RB = 1000


def _mesh():
    return plsc.VectorSubcoreMesh(core_axis_name="c", subcore_axis_name="s")


_DW = 16


def _sc_degree(dst3, zeros_col, ones_col, compiler_params=None):
    n, dw = zeros_col.shape
    nwin = dst3.shape[1]

    @functools.partial(
        pl.kernel,
        out_type=jax.ShapeDtypeStruct((_NC, n, dw), jnp.float32),
        mesh=_mesh(),
        compiler_params=compiler_params,
        scratch_types=[
            pltpu.VMEM_SHARED((n, dw), jnp.float32),
            pltpu.VMEM((nwin, _W), jnp.int32),
            pltpu.VMEM((_W, dw), jnp.float32),
        ],
    )
    def deg_kernel(dst_hbm, zeros_hbm, ones_hbm, out_hbm, acc_sh, dst_v, ones_v):
        cid = lax.axis_index("c")
        sid = lax.axis_index("s")
        wid = cid * _NS + sid

        pltpu.sync_copy(ones_hbm, ones_v)

        @pl.when(sid < n // _RB)
        def _():
            sl = pl.ds(sid * _RB, _RB)
            pltpu.sync_copy(zeros_hbm.at[sl], acc_sh.at[sl])

        plsc.subcore_barrier()

        pltpu.sync_copy(dst_hbm.at[wid], dst_v)

        @pl.loop(0, nwin)
        def _(w):
            pltpu.sync_copy(ones_v, acc_sh.at[dst_v.at[w]], add=True)

        plsc.subcore_barrier()

        @pl.when(sid < n // _RB)
        def _():
            sl = pl.ds(sid * _RB, _RB)
            pltpu.sync_copy(acc_sh.at[sl], out_hbm.at[cid, sl])

    return deg_kernel(dst3, zeros_col, ones_col)


def _sc_aggregate(p, src3, dst3):
    n, d = p.shape
    nwin = src3.shape[1]

    @functools.partial(
        pl.kernel,
        out_type=jax.ShapeDtypeStruct((_NC, n, d), jnp.float32),
        mesh=_mesh(),
        compiler_params=pltpu.CompilerParams(
            use_tc_tiling_on_sc=False,
            disable_bounds_checks=True,
            disable_semaphore_checks=True,
        ),
        scratch_types=[
            pltpu.VMEM_SHARED((n, d), jnp.float32),
            pltpu.VMEM((nwin, _W), jnp.int32),
            pltpu.VMEM((nwin, _W), jnp.int32),
            pltpu.VMEM((_W, d), jnp.float32),
            pltpu.VMEM((_W, d), jnp.float32),
            pltpu.VMEM((_W, d), jnp.float32),
            pltpu.SemaphoreType.DMA,
            pltpu.SemaphoreType.DMA,
            pltpu.SemaphoreType.DMA,
        ],
    )
    def agg_kernel(p_hbm, src_hbm, dst_hbm, out_hbm, acc_sh, src_v, dst_v,
                   rows0, rows1, rows2, sem0, sem1, sem2):
        cid = lax.axis_index("c")
        sid = lax.axis_index("s")
        wid = cid * _NS + sid

        @pl.when(sid < n // _RB)
        def _():
            sl = pl.ds(sid * _RB, _RB)
            pltpu.sync_copy(p_hbm.at[sl], acc_sh.at[sl])

        pltpu.sync_copy(src_hbm.at[wid], src_v)
        pltpu.sync_copy(dst_hbm.at[wid], dst_v)
        plsc.subcore_barrier()

        bufs = ((rows0, sem0), (rows1, sem1), (rows2, sem2))
        nring = len(bufs)
        nwin_pad = -(-nwin // nring) * nring

        for b, (rv, sm) in enumerate(bufs):
            pltpu.async_copy(p_hbm.at[src_v.at[b]], rv, sm)

        @pl.loop(0, nwin_pad, step=nring)
        def _(w):
            for b, (rv, sm) in enumerate(bufs):
                wb = w + b

                @pl.when(wb < nwin)
                def _(wb=wb, rv=rv, sm=sm):
                    pltpu.make_async_copy(p_hbm.at[src_v.at[wb]], rv, sm).wait()
                    pltpu.sync_copy(rv, acc_sh.at[dst_v.at[wb]], add=True)

                    @pl.when(wb + nring < nwin)
                    def _():
                        pltpu.async_copy(p_hbm.at[src_v.at[wb + nring]], rv, sm)

        plsc.subcore_barrier()

        @pl.when(sid < n // _RB)
        def _():
            sl = pl.ds(sid * _RB, _RB)
            pltpu.sync_copy(acc_sh.at[sl], out_hbm.at[cid, sl])

    return agg_kernel(p, src3, dst3)


def _dinv_block(deg_ref, i):
    dparts = deg_ref[:, pl.ds(i * _RB, _RB), 0:1]
    deg = dparts[0] + dparts[1] + 1.0
    return lax.rsqrt(deg)


def _tc_matmul(x, w):
    n, din = x.shape
    dh = w.shape[1]

    def body(x_ref, w_ref, o_ref):
        o_ref[...] = lax.dot_general(
            x_ref[...], w_ref[...], (((1,), (0,)), ((), ())),
            precision=lax.Precision.HIGHEST, preferred_element_type=jnp.float32)

    return pl.pallas_call(
        body,
        grid=(n // _RB,),
        in_specs=[
            pl.BlockSpec((_RB, din), lambda i: (i, 0)),
            pl.BlockSpec((din, dh), lambda i: (0, 0)),
        ],
        out_specs=pl.BlockSpec((_RB, dh), lambda i: (i, 0)),
        out_shape=jax.ShapeDtypeStruct((n, dh), jnp.float32),
    )(x, w)


def _tc_scale(h, deg_parts):
    n, d = h.shape

    def body(h_ref, deg_ref, o_ref):
        i = pl.program_id(0)
        o_ref[...] = h_ref[...] * _dinv_block(deg_ref, i)

    return pl.pallas_call(
        body,
        grid=(n // _RB,),
        in_specs=[
            pl.BlockSpec((_RB, d), lambda i: (i, 0)),
            pl.BlockSpec((_NC, n, _DW), lambda i: (0, 0, 0)),
        ],
        out_specs=pl.BlockSpec((_RB, d), lambda i: (i, 0)),
        out_shape=jax.ShapeDtypeStruct((n, d), jnp.float32),
    )(h, deg_parts)


def _tc_mid(s_parts, p1, deg_parts, b1, w2):
    n, d = p1.shape
    dh = w2.shape[1]

    def body(s_ref, p_ref, deg_ref, b_ref, w_ref, o_ref):
        i = pl.program_id(0)
        dinv = _dinv_block(deg_ref, i)
        sv = s_ref[...]
        s = sv[0] + sv[1] - p_ref[...]
        t = jnp.maximum(s * dinv + b_ref[...], 0.0)
        h2 = lax.dot_general(
            t, w_ref[...], (((1,), (0,)), ((), ())),
            precision=lax.Precision.HIGHEST, preferred_element_type=jnp.float32)
        o_ref[...] = h2 * dinv

    return pl.pallas_call(
        body,
        grid=(n // _RB,),
        in_specs=[
            pl.BlockSpec((_NC, _RB, d), lambda i: (0, i, 0)),
            pl.BlockSpec((_RB, d), lambda i: (i, 0)),
            pl.BlockSpec((_NC, n, _DW), lambda i: (0, 0, 0)),
            pl.BlockSpec((1, d), lambda i: (0, 0)),
            pl.BlockSpec((d, dh), lambda i: (0, 0)),
        ],
        out_specs=pl.BlockSpec((_RB, dh), lambda i: (i, 0)),
        out_shape=jax.ShapeDtypeStruct((n, dh), jnp.float32),
    )(s_parts, p1, deg_parts, b1, w2)


def _tc_final(s_parts, p2, deg_parts, b2):
    n, d = p2.shape

    def body(s_ref, p_ref, deg_ref, b_ref, o_ref):
        i = pl.program_id(0)
        dinv = _dinv_block(deg_ref, i)
        sv = s_ref[...]
        s = sv[0] + sv[1] - p_ref[...]
        o_ref[...] = s * dinv + b_ref[...]

    return pl.pallas_call(
        body,
        grid=(n // _RB,),
        in_specs=[
            pl.BlockSpec((_NC, _RB, d), lambda i: (0, i, 0)),
            pl.BlockSpec((_RB, d), lambda i: (i, 0)),
            pl.BlockSpec((_NC, n, _DW), lambda i: (0, 0, 0)),
            pl.BlockSpec((1, d), lambda i: (0, 0)),
        ],
        out_specs=pl.BlockSpec((_RB, d), lambda i: (i, 0)),
        out_shape=jax.ShapeDtypeStruct((n, d), jnp.float32),
    )(s_parts, p2, deg_parts, b2)


def kernel(x, edge_index, W1, b1, W2, b2):
    n = x.shape[0]
    e = edge_index.shape[1]
    nwin = e // (_NW * _W)

    src3 = edge_index[0].reshape(_NW, nwin, _W)
    dst3 = edge_index[1].reshape(_NW, nwin, _W)
    zeros_col = jnp.zeros((n, _DW), jnp.float32)
    ones_col = jnp.ones((_W, _DW), jnp.float32)

    deg_parts = _sc_degree(
        dst3, zeros_col, ones_col,
        compiler_params=pltpu.CompilerParams(
            use_tc_tiling_on_sc=False,
            disable_bounds_checks=True,
            disable_semaphore_checks=True,
        ),
    )
    h1 = _tc_matmul(x, W1)
    p1 = _tc_scale(h1, deg_parts)
    s1 = _sc_aggregate(p1, src3, dst3)
    p2 = _tc_mid(s1, p1, deg_parts, b1.reshape(1, -1), W2)
    s2 = _sc_aggregate(p2, src3, dst3)
    return _tc_final(s2, p2, deg_parts, b2.reshape(1, -1))

# --- scband reference (transcript-rebuilt; emitter-appended) ---
"""Pipeline reference for scband-gcn-31774168056026 (READ-ONLY COPY).

The authoritative reference and input builder live on the scoring server;
editing this copy changes nothing except your own understanding.
"""

import jax, jax.numpy as jnp
import numpy as np

N = 10000
E = 320000
D_IN = 128
D_H = 128


def setup_inputs(seed: int = 0) -> dict:
    key = jax.random.key(seed)
    ks = jax.random.split(key, 6)
    x = jax.random.normal(ks[0], (N, D_IN), dtype=jnp.float32)
    edge_index = jax.random.randint(ks[1], (2, E), 0, N, dtype=jnp.int32)
    W1 = jax.random.normal(ks[2], (D_IN, D_H), dtype=jnp.float32) * (1.0 / np.sqrt(D_IN))
    b1 = jnp.zeros((D_H,), dtype=jnp.float32)
    W2 = jax.random.normal(ks[3], (D_H, D_H), dtype=jnp.float32) * (1.0 / np.sqrt(D_H))
    b2 = jnp.zeros((D_H,), dtype=jnp.float32)
    return {"x": x, "edge_index": edge_index, "W1": W1, "b1": b1, "W2": W2, "b2": b2}


def gcn_conv(x, src, dst, W, b):
    # PyG GCNConv: x' = D^{-1/2} (A + I) D^{-1/2} (X W) + b
    h = x @ W
    loop = jnp.arange(N, dtype=src.dtype)
    src_f = jnp.concatenate([src, loop])
    dst_f = jnp.concatenate([dst, loop])
    ew = jnp.ones(src_f.shape[0], dtype=h.dtype)
    deg = jnp.zeros((N,), dtype=h.dtype).at[dst_f].add(ew)
    dinv = jnp.where(deg > 0, jax.lax.rsqrt(jnp.maximum(deg, 1e-12)), 0.0)
    norm = dinv[src_f] * ew * dinv[dst_f]
    msgs = h[src_f] * norm[:, None]
    out = jnp.zeros((N, h.shape[1]), dtype=h.dtype).at[dst_f].add(msgs)
    return out + b


def reference(x, edge_index, W1, b1, W2, b2):
    src, dst = edge_index[0], edge_index[1]
    h = gcn_conv(x, src, dst, W1, b1)
    h = jax.nn.relu(h)
    # dropout is identity in eval mode
    h = gcn_conv(h, src, dst, W2, b2)
    return h

if __name__ == "__main__":
    import jax
    _d = setup_inputs()
    print(jax.jit(kernel)(*tuple(_d.values())))

</pallas_src>

<mosaic_0001>
#map = affine_map<(d0, d1) -> (0, 0, 0)>
#map1 = affine_map<(d0, d1) -> (0, 0)>
module attributes {stable_mosaic.version = 14 : i64} {
  func.func @deg_kernel(%arg0: i32, %arg1: i32, %arg2: memref<32x125x80xi32, #tpu.memory_space<hbm>>, %arg3: memref<10000x16xf32, #tpu.memory_space<hbm>>, %arg4: memref<80x16xf32, #tpu.memory_space<hbm>>, %arg5: memref<2x10000x16xf32, #tpu.memory_space<hbm>>, %arg6: memref<10000x16xf32, #tpu.memory_space<vmem_shared>>, %arg7: memref<125x80xi32, #tpu.memory_space<vmem>>, %arg8: memref<80x16xf32, #tpu.memory_space<vmem>>) attributes {dimension_semantics = [#tpu.dimension_semantics<core_parallel>, #tpu.dimension_semantics<subcore_parallel>], iteration_bounds = array<i64: 2, 16>, scalar_prefetch = 0 : i64, scratch_operands = 3 : i64, tpu.core_type = #tpu.core_type<sc_vector_subcore>, window_params = [{transform_indices = #map}, {transform_indices = #map1}, {transform_indices = #map1}, {transform_indices = #map}]} {
    %mul3A = arith.constant 16 : i32
    %mul3A_0 = arith.muli %arg0, %mul3A : i32
    %add3A = arith.addi %mul3A_0, %arg1 : i32
    "tpu.region"() ({
      %run_scoped3A = tpu.sem_alloc : memref<!tpu.dma_semaphore, #tpu.memory_space<semaphore_mem>>
      tpu.enqueue_dma source(%arg4 : memref<80x16xf32, #tpu.memory_space<hbm>>) target(%arg8 : memref<80x16xf32, #tpu.memory_space<vmem>>) target_semaphore(%run_scoped3A : memref<!tpu.dma_semaphore, #tpu.memory_space<semaphore_mem>>)
      tpu.wait_dma2 semaphore(%run_scoped3A : memref<!tpu.dma_semaphore, #tpu.memory_space<semaphore_mem>>) src(%arg4 : memref<80x16xf32, #tpu.memory_space<hbm>>) dst(%arg8 : memref<80x16xf32, #tpu.memory_space<vmem>>)
      tpu.yield
    }) : () -> ()
    %lt3A = arith.constant 10 : i32
    %lt3A_1 = arith.cmpi slt, %arg1, %lt3A : i32
    %convert_element_type3A = arith.extui %lt3A_1 : i1 to i32
    %cond3A = arith.constant 0 : i32
    %cond3A_2 = arith.cmpi ne, %convert_element_type3A, %cond3A : i32
    scf.if %cond3A_2 {
      %mul3A_13 = arith.constant 1000 : i32
      %mul3A_14 = arith.muli %arg1, %mul3A_13 : i32
      "tpu.region"() ({
        %run_scoped3A = tpu.sem_alloc : memref<!tpu.dma_semaphore, #tpu.memory_space<semaphore_mem>>
        %dma_start3A = arith.constant 0 : i32
        %dma_start3A_15 = tpu.memref_slice %arg6[%mul3A_14, %dma_start3A] : memref<10000x16xf32, #tpu.memory_space<vmem_shared>> -> memref<1000x16xf32, #tpu.memory_space<vmem_shared>>
        %dma_start3A_16 = arith.constant 0 : i32
        %dma_start3A_17 = tpu.memref_slice %arg3[%mul3A_14, %dma_start3A_16] : memref<10000x16xf32, #tpu.memory_space<hbm>> -> memref<1000x16xf32, #tpu.memory_space<hbm>>
        tpu.enqueue_dma source(%dma_start3A_17 : memref<1000x16xf32, #tpu.memory_space<hbm>>) target(%dma_start3A_15 : memref<1000x16xf32, #tpu.memory_space<vmem_shared>>) target_semaphore(%run_scoped3A : memref<!tpu.dma_semaphore, #tpu.memory_space<semaphore_mem>>)
        %dma_wait3A = arith.constant 0 : i32
        %dma_wait3A_18 = tpu.memref_slice %arg6[%mul3A_14, %dma_wait3A] : memref<10000x16xf32, #tpu.memory_space<vmem_shared>> -> memref<1000x16xf32, #tpu.memory_space<vmem_shared>>
        %dma_wait3A_19 = arith.constant 0 : i32
        %dma_wait3A_20 = tpu.memref_slice %arg3[%mul3A_14, %dma_wait3A_19] : memref<10000x16xf32, #tpu.memory_space<hbm>> -> memref<1000x16xf32, #tpu.memory_space<hbm>>
        tpu.wait_dma2 semaphore(%run_scoped3A : memref<!tpu.dma_semaphore, #tpu.memory_space<semaphore_mem>>) src(%dma_wait3A_20 : memref<1000x16xf32, #tpu.memory_space<hbm>>) dst(%dma_wait3A_18 : memref<1000x16xf32, #tpu.memory_space<vmem_shared>>)
        tpu.yield
      }) : () -> ()
    } else {
    }
    %barrier3A = arith.constant 0 : index
    tpu.barrier barrier_id(%barrier3A)
    "tpu.region"() ({
      %run_scoped3A = tpu.sem_alloc : memref<!tpu.dma_semaphore, #tpu.memory_space<semaphore_mem>>
      %dma_start3A = arith.constant 0 : i32
      %dma_start3A_13 = arith.constant 0 : i32
      %dma_start3A_14 = tpu.memref_slice %arg2[%add3A, %dma_start3A, %dma_start3A_13] : memref<32x125x80xi32, #tpu.memory_space<hbm>> -> memref<1x125x80xi32, #tpu.memory_space<hbm>>
      %dma_start3A_15 = tpu.memref_squeeze %dma_start3A_14 : memref<1x125x80xi32, #tpu.memory_space<hbm>> -> memref<125x80xi32, #tpu.memory_space<hbm>>
      %dma_start3A_16 = arith.constant 0 : i32
      %dma_start3A_17 = arith.constant 0 : i32
      %dma_start3A_18 = tpu.memref_slice %arg2[%add3A, %dma_start3A_16, %dma_start3A_17] : memref<32x125x80xi32, #tpu.memory_space<hbm>> -> memref<1x125x80xi32, #tpu.memory_space<hbm>>
      %dma_start3A_19 = tpu.memref_squeeze %dma_start3A_18 : memref<1x125x80xi32, #tpu.memory_space<hbm>> -> memref<125x80xi32, #tpu.memory_space<hbm>>
      tpu.enqueue_dma source(%dma_start3A_19 : memref<125x80xi32, #tpu.memory_space<hbm>>) target(%arg7 : memref<125x80xi32, #tpu.memory_space<vmem>>) target_semaphore(%run_scoped3A : memref<!tpu.dma_semaphore, #tpu.memory_space<semaphore_mem>>)
      %dma_wait3A = arith.constant 0 : i32
      %dma_wait3A_20 = arith.constant 0 : i32
      %dma_wait3A_21 = tpu.memref_slice %arg2[%add3A, %dma_wait3A, %dma_wait3A_20] : memref<32x125x80xi32, #tpu.memory_space<hbm>> -> memref<1x125x80xi32, #tpu.memory_space<hbm>>
      %dma_wait3A_22 = tpu.memref_squeeze %dma_wait3A_21 : memref<1x125x80xi32, #tpu.memory_space<hbm>> -> memref<125x80xi32, #tpu.memory_space<hbm>>
      %dma_wait3A_23 = arith.constant 0 : i32
      %dma_wait3A_24 = arith.constant 0 : i32
      %dma_wait3A_25 = tpu.memref_slice %arg2[%add3A, %dma_wait3A_23, %dma_wait3A_24] : memref<32x125x80xi32, #tpu.memory_space<hbm>> -> memref<1x125x80xi32, #tpu.memory_space<hbm>>
      %dma_wait3A_26 = tpu.memref_squeeze %dma_wait3A_25 : memref<1x125x80xi32, #tpu.memory_space<hbm>> -> memref<125x80xi32, #tpu.memory_space<hbm>>
      tpu.wait_dma2 semaphore(%run_scoped3A : memref<!tpu.dma_semaphore, #tpu.memory_space<semaphore_mem>>) src(%dma_wait3A_26 : memref<125x80xi32, #tpu.memory_space<hbm>>) dst(%arg7 : memref<125x80xi32, #tpu.memory_space<vmem>>)
      tpu.yield
    }) : () -> ()
    %scan3A = arith.constant 0 : i32
    %scan3A_3 = arith.constant 125 : i32
    %scan3A_4 = arith.addi %scan3A, %scan3A_3 : i32
    %scan3A_5 = arith.constant 1 : i32
    scf.for %scan3A_13 = %scan3A to %scan3A_4 step %scan3A_5  : i32 {
      %mul3A_14 = arith.constant 1 : i32
      %mul3A_15 = arith.muli %scan3A_13, %mul3A_14 : i32
      %add3A_16 = arith.constant 0 : i32
      %add3A_17 = arith.addi %add3A_16, %mul3A_15 : i32
      "tpu.region"() ({
        %run_scoped3A = tpu.sem_alloc : memref<!tpu.dma_semaphore, #tpu.memory_space<semaphore_mem>>
        %dma_start3A = arith.constant 0 : i32
        %dma_start3A_18 = tpu.memref_slice %arg7[%add3A_17, %dma_start3A] : memref<125x80xi32, #tpu.memory_space<vmem>> -> memref<1x80xi32, #tpu.memory_space<vmem>>
        %dma_start3A_19 = tpu.memref_squeeze %dma_start3A_18 : memref<1x80xi32, #tpu.memory_space<vmem>> -> memref<80xi32, #tpu.memory_space<vmem>>
        %dma_start3A_20 = arith.constant 0 : i32
        %dma_start3A_21 = arith.constant 0 : i32
        %dma_start3A_22 = tpu.memref_slice %arg6[%dma_start3A_20, %dma_start3A_21] : memref<10000x16xf32, #tpu.memory_space<vmem_shared>> -> memref<10000x16xf32, #tpu.memory_space<vmem_shared>>
        tpu.enqueue_indirect_dma source(%arg8 : memref<80x16xf32, #tpu.memory_space<vmem>>) target(%dma_start3A_22 : memref<10000x16xf32, #tpu.memory_space<vmem_shared>>) offsets(%dma_start3A_19 : memref<80xi32, #tpu.memory_space<vmem>>) semaphore(%run_scoped3A : memref<!tpu.dma_semaphore, #tpu.memory_space<semaphore_mem>>) {add = true}
        %dma_wait3A = arith.constant 0 : i32
        %dma_wait3A_23 = tpu.memref_slice %arg7[%add3A_17, %dma_wait3A] : memref<125x80xi32, #tpu.memory_space<vmem>> -> memref<1x80xi32, #tpu.memory_space<vmem>>
        %dma_wait3A_24 = tpu.memref_squeeze %dma_wait3A_23 : memref<1x80xi32, #tpu.memory_space<vmem>> -> memref<80xi32, #tpu.memory_space<vmem>>
        %dma_wait3A_25 = arith.constant 0 : i32
        %dma_wait3A_26 = arith.constant 0 : i32
        %dma_wait3A_27 = tpu.memref_slice %arg6[%dma_wait3A_25, %dma_wait3A_26] : memref<10000x16xf32, #tpu.memory_space<vmem_shared>> -> memref<10000x16xf32, #tpu.memory_space<vmem_shared>>
        tpu.wait_indirect_dma semaphore(%run_scoped3A : memref<!tpu.dma_semaphore, #tpu.memory_space<semaphore_mem>>) src(%arg8 : memref<80x16xf32, #tpu.memory_space<vmem>>) dst(%dma_wait3A_27 : memref<10000x16xf32, #tpu.memory_space<vmem_shared>>)
        tpu.yield
      }) : () -> ()
    }
    %scan3A_6 = arith.constant 125 : i32
    %barrier3A_7 = arith.constant 0 : index
    tpu.barrier barrier_id(%barrier3A_7)
    %lt3A_8 = arith.constant 10 : i32
    %lt3A_9 = arith.cmpi slt, %arg1, %lt3A_8 : i32
    %convert_element_type3A_10 = arith.extui %lt3A_9 : i1 to i32
    %cond3A_11 = arith.constant 0 : i32
    %cond3A_12 = arith.cmpi ne, %convert_element_type3A_10, %cond3A_11 : i32
    scf.if %cond3A_12 {
      %mul3A_13 = arith.constant 1000 : i32
      %mul3A_14 = arith.muli %arg1, %mul3A_13 : i32
      "tpu.region"() ({
        %run_scoped3A = tpu.sem_alloc : memref<!tpu.dma_semaphore, #tpu.memory_space<semaphore_mem>>
        %dma_start3A = arith.constant 0 : i32
        %dma_start3A_15 = tpu.memref_slice %arg5[%arg0, %mul3A_14, %dma_start3A] : memref<2x10000x16xf32, #tpu.memory_space<hbm>> -> memref<1x1000x16xf32, #tpu.memory_space<hbm>>
        %dma_start3A_16 = tpu.memref_squeeze %dma_start3A_15 : memref<1x1000x16xf32, #tpu.memory_space<hbm>> -> memref<1000x16xf32, #tpu.memory_space<hbm>>
        %dma_start3A_17 = arith.constant 0 : i32
        %dma_start3A_18 = tpu.memref_slice %arg6[%mul3A_14, %dma_start3A_17] : memref<10000x16xf32, #tpu.memory_space<vmem_shared>> -> memref<1000x16xf32, #tpu.memory_space<vmem_shared>>
        tpu.enqueue_dma source(%dma_start3A_18 : memref<1000x16xf32, #tpu.memory_space<vmem_shared>>) target(%dma_start3A_16 : memref<1000x16xf32, #tpu.memory_space<hbm>>) target_semaphore(%run_scoped3A : memref<!tpu.dma_semaphore, #tpu.memory_space<semaphore_mem>>)
        %dma_wait3A = arith.constant 0 : i32
        %dma_wait3A_19 = tpu.memref_slice %arg5[%arg0, %mul3A_14, %dma_wait3A] : memref<2x10000x16xf32, #tpu.memory_space<hbm>> -> memref<1x1000x16xf32, #tpu.memory_space<hbm>>
        %dma_wait3A_20 = tpu.memref_squeeze %dma_wait3A_19 : memref<1x1000x16xf32, #tpu.memory_space<hbm>> -> memref<1000x16xf32, #tpu.memory_space<hbm>>
        %dma_wait3A_21 = arith.constant 0 : i32
        %dma_wait3A_22 = tpu.memref_slice %arg6[%mul3A_14, %dma_wait3A_21] : memref<10000x16xf32, #tpu.memory_space<vmem_shared>> -> memref<1000x16xf32, #tpu.memory_space<vmem_shared>>
        tpu.wait_dma2 semaphore(%run_scoped3A : memref<!tpu.dma_semaphore, #tpu.memory_space<semaphore_mem>>) src(%dma_wait3A_22 : memref<1000x16xf32, #tpu.memory_space<vmem_shared>>) dst(%dma_wait3A_20 : memref<1000x16xf32, #tpu.memory_space<hbm>>)
        tpu.yield
      }) : () -> ()
    } else {
    }
    return
  }
}

#map = affine_map<(d0, d1) -> (0, 0)>
#map1 = affine_map<(d0, d1) -> (0, 0, 0)>
module attributes {stable_mosaic.version = 14 : i64} {
  func.func @agg_kernel(%arg0: i32, %arg1: i32, %arg2: memref<10000x128xf32, #tpu.memory_space<hbm>>, %arg3: memref<32x125x80xi32, #tpu.memory_space<hbm>>, %arg4: memref<32x125x80xi32, #tpu.memory_space<hbm>>, %arg5: memref<2x10000x128xf32, #tpu.memory_space<hbm>>, %arg6: memref<10000x128xf32, #tpu.memory_space<vmem_shared>>, %arg7: memref<125x80xi32, #tpu.memory_space<vmem>>, %arg8: memref<125x80xi32, #tpu.memory_space<vmem>>, %arg9: memref<80x128xf32, #tpu.memory_space<vmem>>, %arg10: memref<80x128xf32, #tpu.memory_space<vmem>>, %arg11: memref<80x128xf32, #tpu.memory_space<vmem>>, %arg12: memref<!tpu.dma_semaphore, #tpu.memory_space<semaphore_mem>>, %arg13: memref<!tpu.dma_semaphore, #tpu.memory_space<semaphore_mem>>, %arg14: memref<!tpu.dma_semaphore, #tpu.memory_space<semaphore_mem>>) attributes {dimension_semantics = [#tpu.dimension_semantics<core_parallel>, #tpu.dimension_semantics<subcore_parallel>], iteration_bounds = array<i64: 2, 16>, scalar_prefetch = 0 : i64, scratch_operands = 9 : i64, tpu.core_type = #tpu.core_type<sc_vector_subcore>, window_params = [{transform_indices = #map}, {transform_indices = #map1}, {transform_indices = #map1}, {transform_indices = #map1}]} {
    %mul3A = arith.constant 16 : i32
    %mul3A_0 = arith.muli %arg0, %mul3A : i32
    %add3A = arith.addi %mul3A_0, %arg1 : i32
    %lt3A = arith.constant 10 : i32
    %lt3A_1 = arith.cmpi slt, %arg1, %lt3A : i32
    %convert_element_type3A = arith.extui %lt3A_1 : i1 to i32
    %cond3A = arith.constant 0 : i32
    %cond3A_2 = arith.cmpi ne, %convert_element_type3A, %cond3A : i32
    scf.if %cond3A_2 {
      %mul3A_33 = arith.constant 1000 : i32
      %mul3A_34 = arith.muli %arg1, %mul3A_33 : i32
      "tpu.region"() ({
        %run_scoped3A = tpu.sem_alloc : memref<!tpu.dma_semaphore, #tpu.memory_space<semaphore_mem>>
        %dma_start3A_35 = arith.constant 0 : i32
        %dma_start3A_36 = tpu.memref_slice %arg6[%mul3A_34, %dma_start3A_35] : memref<10000x128xf32, #tpu.memory_space<vmem_shared>> -> memref<1000x128xf32, #tpu.memory_space<vmem_shared>>
        %dma_start3A_37 = arith.constant 0 : i32
        %dma_start3A_38 = tpu.memref_slice %arg2[%mul3A_34, %dma_start3A_37] : memref<10000x128xf32, #tpu.memory_space<hbm>> -> memref<1000x128xf32, #tpu.memory_space<hbm>>
        tpu.enqueue_dma source(%dma_start3A_38 : memref<1000x128xf32, #tpu.memory_space<hbm>>) target(%dma_start3A_36 : memref<1000x128xf32, #tpu.memory_space<vmem_shared>>) target_semaphore(%run_scoped3A : memref<!tpu.dma_semaphore, #tpu.memory_space<semaphore_mem>>)
        %dma_wait3A = arith.constant 0 : i32
        %dma_wait3A_39 = tpu.memref_slice %arg6[%mul3A_34, %dma_wait3A] : memref<10000x128xf32, #tpu.memory_space<vmem_shared>> -> memref<1000x128xf32, #tpu.memory_space<vmem_shared>>
        %dma_wait3A_40 = arith.constant 0 : i32
        %dma_wait3A_41 = tpu.memref_slice %arg2[%mul3A_34, %dma_wait3A_40] : memref<10000x128xf32, #tpu.memory_space<hbm>> -> memref<1000x128xf32, #tpu.memory_space<hbm>>
        tpu.wait_dma2 semaphore(%run_scoped3A : memref<!tpu.dma_semaphore, #tpu.memory_space<semaphore_mem>>) src(%dma_wait3A_41 : memref<1000x128xf32, #tpu.memory_space<hbm>>) dst(%dma_wait3A_39 : memref<1000x128xf32, #tpu.memory_space<vmem_shared>>)
        tpu.yield
      }) : () -> ()
    } else {
    }
    "tpu.region"() ({
      %run_scoped3A = tpu.sem_alloc : memref<!tpu.dma_semaphore, #tpu.memory_space<semaphore_mem>>
      %dma_start3A_33 = arith.constant 0 : i32
      %dma_start3A_34 = arith.constant 0 : i32
      %dma_start3A_35 = tpu.memref_slice %arg3[%add3A, %dma_start3A_33, %dma_start3A_34] : memref<32x125x80xi32, #tpu.memory_space<hbm>> -> memref<1x125x80xi32, #tpu.memory_space<hbm>>
      %dma_start3A_36 = tpu.memref_squeeze %dma_start3A_35 : memref<1x125x80xi32, #tpu.memory_space<hbm>> -> memref<125x80xi32, #tpu.memory_space<hbm>>
      %dma_start3A_37 = arith.constant 0 : i32
      %dma_start3A_38 = arith.constant 0 : i32
      %dma_start3A_39 = tpu.memref_slice %arg3[%add3A, %dma_start3A_37, %dma_start3A_38] : memref<32x125x80xi32, #tpu.memory_space<hbm>> -> memref<1x125x80xi32, #tpu.memory_space<hbm>>
      %dma_start3A_40 = tpu.memref_squeeze %dma_start3A_39 : memref<1x125x80xi32, #tpu.memory_space<hbm>> -> memref<125x80xi32, #tpu.memory_space<hbm>>
      tpu.enqueue_dma source(%dma_start3A_40 : memref<125x80xi32, #tpu.memory_space<hbm>>) target(%arg7 : memref<125x80xi32, #tpu.memory_space<vmem>>) target_semaphore(%run_scoped3A : memref<!tpu.dma_semaphore, #tpu.memory_space<semaphore_mem>>)
      %dma_wait3A = arith.constant 0 : i32
      %dma_wait3A_41 = arith.constant 0 : i32
      %dma_wait3A_42 = tpu.memref_slice %arg3[%add3A, %dma_wait3A, %dma_wait3A_41] : memref<32x125x80xi32, #tpu.memory_space<hbm>> -> memref<1x125x80xi32, #tpu.memory_space<hbm>>
      %dma_wait3A_43 = tpu.memref_squeeze %dma_wait3A_42 : memref<1x125x80xi32, #tpu.memory_space<hbm>> -> memref<125x80xi32, #tpu.memory_space<hbm>>
      %dma_wait3A_44 = arith.constant 0 : i32
      %dma_wait3A_45 = arith.constant 0 : i32
      %dma_wait3A_46 = tpu.memref_slice %arg3[%add3A, %dma_wait3A_44, %dma_wait3A_45] : memref<32x125x80xi32, #tpu.memory_space<hbm>> -> memref<1x125x80xi32, #tpu.memory_space<hbm>>
      %dma_wait3A_47 = tpu.memref_squeeze %dma_wait3A_46 : memref<1x125x80xi32, #tpu.memory_space<hbm>> -> memref<125x80xi32, #tpu.memory_space<hbm>>
      tpu.wait_dma2 semaphore(%run_scoped3A : memref<!tpu.dma_semaphore, #tpu.memory_space<semaphore_mem>>) src(%dma_wait3A_47 : memref<125x80xi32, #tpu.memory_space<hbm>>) dst(%arg7 : memref<125x80xi32, #tpu.memory_space<vmem>>)
      tpu.yield
    }) : () -> ()
    "tpu.region"() ({
      %run_scoped3A = tpu.sem_alloc : memref<!tpu.dma_semaphore, #tpu.memory_space<semaphore_mem>>
      %dma_start3A_33 = arith.constant 0 : i32
      %dma_start3A_34 = arith.constant 0 : i32
      %dma_start3A_35 = tpu.memref_slice %arg4[%add3A, %dma_start3A_33, %dma_start3A_34] : memref<32x125x80xi32, #tpu.memory_space<hbm>> -> memref<1x125x80xi32, #tpu.memory_space<hbm>>
      %dma_start3A_36 = tpu.memref_squeeze %dma_start3A_35 : memref<1x125x80xi32, #tpu.memory_space<hbm>> -> memref<125x80xi32, #tpu.memory_space<hbm>>
      %dma_start3A_37 = arith.constant 0 : i32
      %dma_start3A_38 = arith.constant 0 : i32
      %dma_start3A_39 = tpu.memref_slice %arg4[%add3A, %dma_start3A_37, %dma_start3A_38] : memref<32x125x80xi32, #tpu.memory_space<hbm>> -> memref<1x125x80xi32, #tpu.memory_space<hbm>>
      %dma_start3A_40 = tpu.memref_squeeze %dma_start3A_39 : memref<1x125x80xi32, #tpu.memory_space<hbm>> -> memref<125x80xi32, #tpu.memory_space<hbm>>
      tpu.enqueue_dma source(%dma_start3A_40 : memref<125x80xi32, #tpu.memory_space<hbm>>) target(%arg8 : memref<125x80xi32, #tpu.memory_space<vmem>>) target_semaphore(%run_scoped3A : memref<!tpu.dma_semaphore, #tpu.memory_space<semaphore_mem>>)
      %dma_wait3A = arith.constant 0 : i32
      %dma_wait3A_41 = arith.constant 0 : i32
      %dma_wait3A_42 = tpu.memref_slice %arg4[%add3A, %dma_wait3A, %dma_wait3A_41] : memref<32x125x80xi32, #tpu.memory_space<hbm>> -> memref<1x125x80xi32, #tpu.memory_space<hbm>>
      %dma_wait3A_43 = tpu.memref_squeeze %dma_wait3A_42 : memref<1x125x80xi32, #tpu.memory_space<hbm>> -> memref<125x80xi32, #tpu.memory_space<hbm>>
      %dma_wait3A_44 = arith.constant 0 : i32
      %dma_wait3A_45 = arith.constant 0 : i32
      %dma_wait3A_46 = tpu.memref_slice %arg4[%add3A, %dma_wait3A_44, %dma_wait3A_45] : memref<32x125x80xi32, #tpu.memory_space<hbm>> -> memref<1x125x80xi32, #tpu.memory_space<hbm>>
      %dma_wait3A_47 = tpu.memref_squeeze %dma_wait3A_46 : memref<1x125x80xi32, #tpu.memory_space<hbm>> -> memref<125x80xi32, #tpu.memory_space<hbm>>
      tpu.wait_dma2 semaphore(%run_scoped3A : memref<!tpu.dma_semaphore, #tpu.memory_space<semaphore_mem>>) src(%dma_wait3A_47 : memref<125x80xi32, #tpu.memory_space<hbm>>) dst(%arg8 : memref<125x80xi32, #tpu.memory_space<vmem>>)
      tpu.yield
    }) : () -> ()
    %barrier3A = arith.constant 0 : index
    tpu.barrier barrier_id(%barrier3A)
    %dma_start3A = arith.constant 0 : i32
    %dma_start3A_3 = arith.constant 0 : i32
    %dma_start3A_4 = tpu.memref_slice %arg7[%dma_start3A, %dma_start3A_3] : memref<125x80xi32, #tpu.memory_space<vmem>> -> memref<1x80xi32, #tpu.memory_space<vmem>>
    %dma_start3A_5 = tpu.memref_squeeze %dma_start3A_4 : memref<1x80xi32, #tpu.memory_space<vmem>> -> memref<80xi32, #tpu.memory_space<vmem>>
    %dma_start3A_6 = arith.constant 0 : i32
    %dma_start3A_7 = arith.constant 0 : i32
    %dma_start3A_8 = tpu.memref_slice %arg2[%dma_start3A_6, %dma_start3A_7] : memref<10000x128xf32, #tpu.memory_space<hbm>> -> memref<10000x128xf32, #tpu.memory_space<hbm>>
    tpu.enqueue_indirect_dma source(%dma_start3A_8 : memref<10000x128xf32, #tpu.memory_space<hbm>>) target(%arg9 : memref<80x128xf32, #tpu.memory_space<vmem>>) offsets(%dma_start3A_5 : memref<80xi32, #tpu.memory_space<vmem>>) semaphore(%arg12 : memref<!tpu.dma_semaphore, #tpu.memory_space<semaphore_mem>>)
    %dma_start3A_9 = arith.constant 1 : i32
    %dma_start3A_10 = arith.constant 0 : i32
    %dma_start3A_11 = tpu.memref_slice %arg7[%dma_start3A_9, %dma_start3A_10] : memref<125x80xi32, #tpu.memory_space<vmem>> -> memref<1x80xi32, #tpu.memory_space<vmem>>
    %dma_start3A_12 = tpu.memref_squeeze %dma_start3A_11 : memref<1x80xi32, #tpu.memory_space<vmem>> -> memref<80xi32, #tpu.memory_space<vmem>>
    %dma_start3A_13 = arith.constant 0 : i32
    %dma_start3A_14 = arith.constant 0 : i32
    %dma_start3A_15 = tpu.memref_slice %arg2[%dma_start3A_13, %dma_start3A_14] : memref<10000x128xf32, #tpu.memory_space<hbm>> -> memref<10000x128xf32, #tpu.memory_space<hbm>>
    tpu.enqueue_indirect_dma source(%dma_start3A_15 : memref<10000x128xf32, #tpu.memory_space<hbm>>) target(%arg10 : memref<80x128xf32, #tpu.memory_space<vmem>>) offsets(%dma_start3A_12 : memref<80xi32, #tpu.memory_space<vmem>>) semaphore(%arg13 : memref<!tpu.dma_semaphore, #tpu.memory_space<semaphore_mem>>)
    %dma_start3A_16 = arith.constant 2 : i32
    %dma_start3A_17 = arith.constant 0 : i32
    %dma_start3A_18 = tpu.memref_slice %arg7[%dma_start3A_16, %dma_start3A_17] : memref<125x80xi32, #tpu.memory_space<vmem>> -> memref<1x80xi32, #tpu.memory_space<vmem>>
    %dma_start3A_19 = tpu.memref_squeeze %dma_start3A_18 : memref<1x80xi32, #tpu.memory_space<vmem>> -> memref<80xi32, #tpu.memory_space<vmem>>
    %dma_start3A_20 = arith.constant 0 : i32
    %dma_start3A_21 = arith.constant 0 : i32
    %dma_start3A_22 = tpu.memref_slice %arg2[%dma_start3A_20, %dma_start3A_21] : memref<10000x128xf32, #tpu.memory_space<hbm>> -> memref<10000x128xf32, #tpu.memory_space<hbm>>
    tpu.enqueue_indirect_dma source(%dma_start3A_22 : memref<10000x128xf32, #tpu.memory_space<hbm>>) target(%arg11 : memref<80x128xf32, #tpu.memory_space<vmem>>) offsets(%dma_start3A_19 : memref<80xi32, #tpu.memory_space<vmem>>) semaphore(%arg14 : memref<!tpu.dma_semaphore, #tpu.memory_space<semaphore_mem>>)
    %scan3A = arith.constant 0 : i32
    %scan3A_23 = arith.constant 42 : i32
    %scan3A_24 = arith.addi %scan3A, %scan3A_23 : i32
    %scan3A_25 = arith.constant 1 : i32
    scf.for %scan3A_33 = %scan3A to %scan3A_24 step %scan3A_25  : i32 {
      %mul3A_34 = arith.constant 3 : i32
      %mul3A_35 = arith.muli %scan3A_33, %mul3A_34 : i32
      %add3A_36 = arith.constant 0 : i32
      %add3A_37 = arith.addi %add3A_36, %mul3A_35 : i32
      %add3A_38 = arith.constant 0 : i32
      %add3A_39 = arith.addi %add3A_37, %add3A_38 : i32
      %lt3A_40 = arith.constant 125 : i32
      %lt3A_41 = arith.cmpi slt, %add3A_39, %lt3A_40 : i32
      %convert_element_type3A_42 = arith.extui %lt3A_41 : i1 to i32
      %cond3A_43 = arith.constant 0 : i32
      %cond3A_44 = arith.cmpi ne, %convert_element_type3A_42, %cond3A_43 : i32
      scf.if %cond3A_44 {
        %dma_wait3A = arith.constant 0 : i32
        %dma_wait3A_59 = tpu.memref_slice %arg7[%add3A_39, %dma_wait3A] : memref<125x80xi32, #tpu.memory_space<vmem>> -> memref<1x80xi32, #tpu.memory_space<vmem>>
        %dma_wait3A_60 = tpu.memref_squeeze %dma_wait3A_59 : memref<1x80xi32, #tpu.memory_space<vmem>> -> memref<80xi32, #tpu.memory_space<vmem>>
        %dma_wait3A_61 = arith.constant 0 : i32
        %dma_wait3A_62 = arith.constant 0 : i32
        %dma_wait3A_63 = tpu.memref_slice %arg2[%dma_wait3A_61, %dma_wait3A_62] : memref<10000x128xf32, #tpu.memory_space<hbm>> -> memref<10000x128xf32, #tpu.memory_space<hbm>>
        tpu.wait_indirect_dma semaphore(%arg12 : memref<!tpu.dma_semaphore, #tpu.memory_space<semaphore_mem>>) src(%dma_wait3A_63 : memref<10000x128xf32, #tpu.memory_space<hbm>>) dst(%arg9 : memref<80x128xf32, #tpu.memory_space<vmem>>)
        "tpu.region"() ({
          %run_scoped3A = tpu.sem_alloc : memref<!tpu.dma_semaphore, #tpu.memory_space<semaphore_mem>>
          %dma_start3A_71 = arith.constant 0 : i32
          %dma_start3A_72 = tpu.memref_slice %arg8[%add3A_39, %dma_start3A_71] : memref<125x80xi32, #tpu.memory_space<vmem>> -> memref<1x80xi32, #tpu.memory_space<vmem>>
          %dma_start3A_73 = tpu.memref_squeeze %dma_start3A_72 : memref<1x80xi32, #tpu.memory_space<vmem>> -> memref<80xi32, #tpu.memory_space<vmem>>
          %dma_start3A_74 = arith.constant 0 : i32
          %dma_start3A_75 = arith.constant 0 : i32
          %dma_start3A_76 = tpu.memref_slice %arg6[%dma_start3A_74, %dma_start3A_75] : memref<10000x128xf32, #tpu.memory_space<vmem_shared>> -> memref<10000x128xf32, #tpu.memory_space<vmem_shared>>
          tpu.enqueue_indirect_dma source(%arg9 : memref<80x128xf32, #tpu.memory_space<vmem>>) target(%dma_start3A_76 : memref<10000x128xf32, #tpu.memory_space<vmem_shared>>) offsets(%dma_start3A_73 : memref<80xi32, #tpu.memory_space<vmem>>) semaphore(%run_scoped3A : memref<!tpu.dma_semaphore, #tpu.memory_space<semaphore_mem>>) {add = true}
          %dma_wait3A_77 = arith.constant 0 : i32
          %dma_wait3A_78 = tpu.memref_slice %arg8[%add3A_39, %dma_wait3A_77] : memref<125x80xi32, #tpu.memory_space<vmem>> -> memref<1x80xi32, #tpu.memory_space<vmem>>
          %dma_wait3A_79 = tpu.memref_squeeze %dma_wait3A_78 : memref<1x80xi32, #tpu.memory_space<vmem>> -> memref<80xi32, #tpu.memory_space<vmem>>
          %dma_wait3A_80 = arith.constant 0 : i32
          %dma_wait3A_81 = arith.constant 0 : i32
          %dma_wait3A_82 = tpu.memref_slice %arg6[%dma_wait3A_80, %dma_wait3A_81] : memref<10000x128xf32, #tpu.memory_space<vmem_shared>> -> memref<10000x128xf32, #tpu.memory_space<vmem_shared>>
          tpu.wait_indirect_dma semaphore(%run_scoped3A : memref<!tpu.dma_semaphore, #tpu.memory_space<semaphore_mem>>) src(%arg9 : memref<80x128xf32, #tpu.memory_space<vmem>>) dst(%dma_wait3A_82 : memref<10000x128xf32, #tpu.memory_space<vmem_shared>>)
          tpu.yield
        }) : () -> ()
        %add3A_64 = arith.constant 3 : i32
        %add3A_65 = arith.addi %add3A_39, %add3A_64 : i32
        %lt3A_66 = arith.constant 125 : i32
        %lt3A_67 = arith.cmpi slt, %add3A_65, %lt3A_66 : i32
        %convert_element_type3A_68 = arith.extui %lt3A_67 : i1 to i32
        %cond3A_69 = arith.constant 0 : i32
        %cond3A_70 = arith.cmpi ne, %convert_element_type3A_68, %cond3A_69 : i32
        scf.if %cond3A_70 {
          %add3A_71 = arith.constant 3 : i32
          %add3A_72 = arith.addi %add3A_39, %add3A_71 : i32
          %dma_start3A_73 = arith.constant 0 : i32
          %dma_start3A_74 = tpu.memref_slice %arg7[%add3A_72, %dma_start3A_73] : memref<125x80xi32, #tpu.memory_space<vmem>> -> memref<1x80xi32, #tpu.memory_space<vmem>>
          %dma_start3A_75 = tpu.memref_squeeze %dma_start3A_74 : memref<1x80xi32, #tpu.memory_space<vmem>> -> memref<80xi32, #tpu.memory_space<vmem>>
          %dma_start3A_76 = arith.constant 0 : i32
          %dma_start3A_77 = arith.constant 0 : i32
          %dma_start3A_78 = tpu.memref_slice %arg2[%dma_start3A_76, %dma_start3A_77] : memref<10000x128xf32, #tpu.memory_space<hbm>> -> memref<10000x128xf32, #tpu.memory_space<hbm>>
          tpu.enqueue_indirect_dma source(%dma_start3A_78 : memref<10000x128xf32, #tpu.memory_space<hbm>>) target(%arg9 : memref<80x128xf32, #tpu.memory_space<vmem>>) offsets(%dma_start3A_75 : memref<80xi32, #tpu.memory_space<vmem>>) semaphore(%arg12 : memref<!tpu.dma_semaphore, #tpu.memory_space<semaphore_mem>>)
        } else {
        }
      } else {
      }
      %add3A_45 = arith.constant 1 : i32
      %add3A_46 = arith.addi %add3A_37, %add3A_45 : i32
      %lt3A_47 = arith.constant 125 : i32
      %lt3A_48 = arith.cmpi slt, %add3A_46, %lt3A_47 : i32
      %convert_element_type3A_49 = arith.extui %lt3A_48 : i1 to i32
      %cond3A_50 = arith.constant 0 : i32
      %cond3A_51 = arith.cmpi ne, %convert_element_type3A_49, %cond3A_50 : i32
      scf.if %cond3A_51 {
        %dma_wait3A = arith.constant 0 : i32
        %dma_wait3A_59 = tpu.memref_slice %arg7[%add3A_46, %dma_wait3A] : memref<125x80xi32, #tpu.memory_space<vmem>> -> memref<1x80xi32, #tpu.memory_space<vmem>>
        %dma_wait3A_60 = tpu.memref_squeeze %dma_wait3A_59 : memref<1x80xi32, #tpu.memory_space<vmem>> -> memref<80xi32, #tpu.memory_space<vmem>>
        %dma_wait3A_61 = arith.constant 0 : i32
        %dma_wait3A_62 = arith.constant 0 : i32
        %dma_wait3A_63 = tpu.memref_slice %arg2[%dma_wait3A_61, %dma_wait3A_62] : memref<10000x128xf32, #tpu.memory_space<hbm>> -> memref<10000x128xf32, #tpu.memory_space<hbm>>
        tpu.wait_indirect_dma semaphore(%arg13 : memref<!tpu.dma_semaphore, #tpu.memory_space<semaphore_mem>>) src(%dma_wait3A_63 : memref<10000x128xf32, #tpu.memory_space<hbm>>) dst(%arg10 : memref<80x128xf32, #tpu.memory_space<vmem>>)
        "tpu.region"() ({
          %run_scoped3A = tpu.sem_alloc : memref<!tpu.dma_semaphore, #tpu.memory_space<semaphore_mem>>
          %dma_start3A_71 = arith.constant 0 : i32
          %dma_start3A_72 = tpu.memref_slice %arg8[%add3A_46, %dma_start3A_71] : memref<125x80xi32, #tpu.memory_space<vmem>> -> memref<1x80xi32, #tpu.memory_space<vmem>>
          %dma_start3A_73 = tpu.memref_squeeze %dma_start3A_72 : memref<1x80xi32, #tpu.memory_space<vmem>> -> memref<80xi32, #tpu.memory_space<vmem>>
          %dma_start3A_74 = arith.constant 0 : i32
          %dma_start3A_75 = arith.constant 0 : i32
          %dma_start3A_76 = tpu.memref_slice %arg6[%dma_start3A_74, %dma_start3A_75] : memref<10000x128xf32, #tpu.memory_space<vmem_shared>> -> memref<10000x128xf32, #tpu.memory_space<vmem_shared>>
          tpu.enqueue_indirect_dma source(%arg10 : memref<80x128xf32, #tpu.memory_space<vmem>>) target(%dma_start3A_76 : memref<10000x128xf32, #tpu.memory_space<vmem_shared>>) offsets(%dma_start3A_73 : memref<80xi32, #tpu.memory_space<vmem>>) semaphore(%run_scoped3A : memref<!tpu.dma_semaphore, #tpu.memory_space<semaphore_mem>>) {add = true}
          %dma_wait3A_77 = arith.constant 0 : i32
          %dma_wait3A_78 = tpu.memref_slice %arg8[%add3A_46, %dma_wait3A_77] : memref<125x80xi32, #tpu.memory_space<vmem>> -> memref<1x80xi32, #tpu.memory_space<vmem>>
          %dma_wait3A_79 = tpu.memref_squeeze %dma_wait3A_78 : memref<1x80xi32, #tpu.memory_space<vmem>> -> memref<80xi32, #tpu.memory_space<vmem>>
          %dma_wait3A_80 = arith.constant 0 : i32
          %dma_wait3A_81 = arith.constant 0 : i32
          %dma_wait3A_82 = tpu.memref_slice %arg6[%dma_wait3A_80, %dma_wait3A_81] : memref<10000x128xf32, #tpu.memory_space<vmem_shared>> -> memref<10000x128xf32, #tpu.memory_space<vmem_shared>>
          tpu.wait_indirect_dma semaphore(%run_scoped3A : memref<!tpu.dma_semaphore, #tpu.memory_space<semaphore_mem>>) src(%arg10 : memref<80x128xf32, #tpu.memory_space<vmem>>) dst(%dma_wait3A_82 : memref<10000x128xf32, #tpu.memory_space<vmem_shared>>)
          tpu.yield
        }) : () -> ()
        %add3A_64 = arith.constant 3 : i32
        %add3A_65 = arith.addi %add3A_46, %add3A_64 : i32
        %lt3A_66 = arith.constant 125 : i32
        %lt3A_67 = arith.cmpi slt, %add3A_65, %lt3A_66 : i32
        %convert_element_type3A_68 = arith.extui %lt3A_67 : i1 to i32
        %cond3A_69 = arith.constant 0 : i32
        %cond3A_70 = arith.cmpi ne, %convert_element_type3A_68, %cond3A_69 : i32
        scf.if %cond3A_70 {
          %add3A_71 = arith.constant 3 : i32
          %add3A_72 = arith.addi %add3A_46, %add3A_71 : i32
          %dma_start3A_73 = arith.constant 0 : i32
          %dma_start3A_74 = tpu.memref_slice %arg7[%add3A_72, %dma_start3A_73] : memref<125x80xi32, #tpu.memory_space<vmem>> -> memref<1x80xi32, #tpu.memory_space<vmem>>
          %dma_start3A_75 = tpu.memref_squeeze %dma_start3A_74 : memref<1x80xi32, #tpu.memory_space<vmem>> -> memref<80xi32, #tpu.memory_space<vmem>>
          %dma_start3A_76 = arith.constant 0 : i32
          %dma_start3A_77 = arith.constant 0 : i32
          %dma_start3A_78 = tpu.memref_slice %arg2[%dma_start3A_76, %dma_start3A_77] : memref<10000x128xf32, #tpu.memory_space<hbm>> -> memref<10000x128xf32, #tpu.memory_space<hbm>>
          tpu.enqueue_indirect_dma source(%dma_start3A_78 : memref<10000x128xf32, #tpu.memory_space<hbm>>) target(%arg10 : memref<80x128xf32, #tpu.memory_space<vmem>>) offsets(%dma_start3A_75 : memref<80xi32, #tpu.memory_space<vmem>>) semaphore(%arg13 : memref<!tpu.dma_semaphore, #tpu.memory_space<semaphore_mem>>)
        } else {
        }
      } else {
      }
      %add3A_52 = arith.constant 2 : i32
      %add3A_53 = arith.addi %add3A_37, %add3A_52 : i32
      %lt3A_54 = arith.constant 125 : i32
      %lt3A_55 = arith.cmpi slt, %add3A_53, %lt3A_54 : i32
      %convert_element_type3A_56 = arith.extui %lt3A_55 : i1 to i32
      %cond3A_57 = arith.constant 0 : i32
      %cond3A_58 = arith.cmpi ne, %convert_element_type3A_56, %cond3A_57 : i32
      scf.if %cond3A_58 {
        %dma_wait3A = arith.constant 0 : i32
        %dma_wait3A_59 = tpu.memref_slice %arg7[%add3A_53, %dma_wait3A] : memref<125x80xi32, #tpu.memory_space<vmem>> -> memref<1x80xi32, #tpu.memory_space<vmem>>
        %dma_wait3A_60 = tpu.memref_squeeze %dma_wait3A_59 : memref<1x80xi32, #tpu.memory_space<vmem>> -> memref<80xi32, #tpu.memory_space<vmem>>
        %dma_wait3A_61 = arith.constant 0 : i32
        %dma_wait3A_62 = arith.constant 0 : i32
        %dma_wait3A_63 = tpu.memref_slice %arg2[%dma_wait3A_61, %dma_wait3A_62] : memref<10000x128xf32, #tpu.memory_space<hbm>> -> memref<10000x128xf32, #tpu.memory_space<hbm>>
        tpu.wait_indirect_dma semaphore(%arg14 : memref<!tpu.dma_semaphore, #tpu.memory_space<semaphore_mem>>) src(%dma_wait3A_63 : memref<10000x128xf32, #tpu.memory_space<hbm>>) dst(%arg11 : memref<80x128xf32, #tpu.memory_space<vmem>>)
        "tpu.region"() ({
          %run_scoped3A = tpu.sem_alloc : memref<!tpu.dma_semaphore, #tpu.memory_space<semaphore_mem>>
          %dma_start3A_71 = arith.constant 0 : i32
          %dma_start3A_72 = tpu.memref_slice %arg8[%add3A_53, %dma_start3A_71] : memref<125x80xi32, #tpu.memory_space<vmem>> -> memref<1x80xi32, #tpu.memory_space<vmem>>
          %dma_start3A_73 = tpu.memref_squeeze %dma_start3A_72 : memref<1x80xi32, #tpu.memory_space<vmem>> -> memref<80xi32, #tpu.memory_space<vmem>>
          %dma_start3A_74 = arith.constant 0 : i32
          %dma_start3A_75 = arith.constant 0 : i32
          %dma_start3A_76 = tpu.memref_slice %arg6[%dma_start3A_74, %dma_start3A_75] : memref<10000x128xf32, #tpu.memory_space<vmem_shared>> -> memref<10000x128xf32, #tpu.memory_space<vmem_shared>>
          tpu.enqueue_indirect_dma source(%arg11 : memref<80x128xf32, #tpu.memory_space<vmem>>) target(%dma_start3A_76 : memref<10000x128xf32, #tpu.memory_space<vmem_shared>>) offsets(%dma_start3A_73 : memref<80xi32, #tpu.memory_space<vmem>>) semaphore(%run_scoped3A : memref<!tpu.dma_semaphore, #tpu.memory_space<semaphore_mem>>) {add = true}
          %dma_wait3A_77 = arith.constant 0 : i32
          %dma_wait3A_78 = tpu.memref_slice %arg8[%add3A_53, %dma_wait3A_77] : memref<125x80xi32, #tpu.memory_space<vmem>> -> memref<1x80xi32, #tpu.memory_space<vmem>>
          %dma_wait3A_79 = tpu.memref_squeeze %dma_wait3A_78 : memref<1x80xi32, #tpu.memory_space<vmem>> -> memref<80xi32, #tpu.memory_space<vmem>>
          %dma_wait3A_80 = arith.constant 0 : i32
          %dma_wait3A_81 = arith.constant 0 : i32
          %dma_wait3A_82 = tpu.memref_slice %arg6[%dma_wait3A_80, %dma_wait3A_81] : memref<10000x128xf32, #tpu.memory_space<vmem_shared>> -> memref<10000x128xf32, #tpu.memory_space<vmem_shared>>
          tpu.wait_indirect_dma semaphore(%run_scoped3A : memref<!tpu.dma_semaphore, #tpu.memory_space<semaphore_mem>>) src(%arg11 : memref<80x128xf32, #tpu.memory_space<vmem>>) dst(%dma_wait3A_82 : memref<10000x128xf32, #tpu.memory_space<vmem_shared>>)
          tpu.yield
        }) : () -> ()
        %add3A_64 = arith.constant 3 : i32
        %add3A_65 = arith.addi %add3A_53, %add3A_64 : i32
        %lt3A_66 = arith.constant 125 : i32
        %lt3A_67 = arith.cmpi slt, %add3A_65, %lt3A_66 : i32
        %convert_element_type3A_68 = arith.extui %lt3A_67 : i1 to i32
        %cond3A_69 = arith.constant 0 : i32
        %cond3A_70 = arith.cmpi ne, %convert_element_type3A_68, %cond3A_69 : i32
        scf.if %cond3A_70 {
          %add3A_71 = arith.constant 3 : i32
          %add3A_72 = arith.addi %add3A_53, %add3A_71 : i32
          %dma_start3A_73 = arith.constant 0 : i32
          %dma_start3A_74 = tpu.memref_slice %arg7[%add3A_72, %dma_start3A_73] : memref<125x80xi32, #tpu.memory_space<vmem>> -> memref<1x80xi32, #tpu.memory_space<vmem>>
          %dma_start3A_75 = tpu.memref_squeeze %dma_start3A_74 : memref<1x80xi32, #tpu.memory_space<vmem>> -> memref<80xi32, #tpu.memory_space<vmem>>
          %dma_start3A_76 = arith.constant 0 : i32
          %dma_start3A_77 = arith.constant 0 : i32
          %dma_start3A_78 = tpu.memref_slice %arg2[%dma_start3A_76, %dma_start3A_77] : memref<10000x128xf32, #tpu.memory_space<hbm>> -> memref<10000x128xf32, #tpu.memory_space<hbm>>
          tpu.enqueue_indirect_dma source(%dma_start3A_78 : memref<10000x128xf32, #tpu.memory_space<hbm>>) target(%arg11 : memref<80x128xf32, #tpu.memory_space<vmem>>) offsets(%dma_start3A_75 : memref<80xi32, #tpu.memory_space<vmem>>) semaphore(%arg14 : memref<!tpu.dma_semaphore, #tpu.memory_space<semaphore_mem>>)
        } else {
        }
      } else {
      }
    }
    %scan3A_26 = arith.constant 42 : i32
    %barrier3A_27 = arith.constant 0 : index
    tpu.barrier barrier_id(%barrier3A_27)
    %lt3A_28 = arith.constant 10 : i32
    %lt3A_29 = arith.cmpi slt, %arg1, %lt3A_28 : i32
    %convert_element_type3A_30 = arith.extui %lt3A_29 : i1 to i32
    %cond3A_31 = arith.constant 0 : i32
    %cond3A_32 = arith.cmpi ne, %convert_element_type3A_30, %cond3A_31 : i32
    scf.if %cond3A_32 {
      %mul3A_33 = arith.constant 1000 : i32
      %mul3A_34 = arith.muli %arg1, %mul3A_33 : i32
      "tpu.region"() ({
        %run_scoped3A = tpu.sem_alloc : memref<!tpu.dma_semaphore, #tpu.memory_space<semaphore_mem>>
        %dma_start3A_35 = arith.constant 0 : i32
        %dma_start3A_36 = tpu.memref_slice %arg5[%arg0, %mul3A_34, %dma_start3A_35] : memref<2x10000x128xf32, #tpu.memory_space<hbm>> -> memref<1x1000x128xf32, #tpu.memory_space<hbm>>
        %dma_start3A_37 = tpu.memref_squeeze %dma_start3A_36 : memref<1x1000x128xf32, #tpu.memory_space<hbm>> -> memref<1000x128xf32, #tpu.memory_space<hbm>>
        %dma_start3A_38 = arith.constant 0 : i32
        %dma_start3A_39 = tpu.memref_slice %arg6[%mul3A_34, %dma_start3A_38] : memref<10000x128xf32, #tpu.memory_space<vmem_shared>> -> memref<1000x128xf32, #tpu.memory_space<vmem_shared>>
        tpu.enqueue_dma source(%dma_start3A_39 : memref<1000x128xf32, #tpu.memory_space<vmem_shared>>) target(%dma_start3A_37 : memref<1000x128xf32, #tpu.memory_space<hbm>>) target_semaphore(%run_scoped3A : memref<!tpu.dma_semaphore, #tpu.memory_space<semaphore_mem>>)
        %dma_wait3A = arith.constant 0 : i32
        %dma_wait3A_40 = tpu.memref_slice %arg5[%arg0, %mul3A_34, %dma_wait3A] : memref<2x10000x128xf32, #tpu.memory_space<hbm>> -> memref<1x1000x128xf32, #tpu.memory_space<hbm>>
        %dma_wait3A_41 = tpu.memref_squeeze %dma_wait3A_40 : memref<1x1000x128xf32, #tpu.memory_space<hbm>> -> memref<1000x128xf32, #tpu.memory_space<hbm>>
        %dma_wait3A_42 = arith.constant 0 : i32
        %dma_wait3A_43 = tpu.memref_slice %arg6[%mul3A_34, %dma_wait3A_42] : memref<10000x128xf32, #tpu.memory_space<vmem_shared>> -> memref<1000x128xf32, #tpu.memory_space<vmem_shared>>
        tpu.wait_dma2 semaphore(%run_scoped3A : memref<!tpu.dma_semaphore, #tpu.memory_space<semaphore_mem>>) src(%dma_wait3A_43 : memref<1000x128xf32, #tpu.memory_space<vmem_shared>>) dst(%dma_wait3A_41 : memref<1000x128xf32, #tpu.memory_space<hbm>>)
        tpu.yield
      }) : () -> ()
    } else {
    }
    return
  }
}

#map = affine_map<(d0, d1) -> (0, 0)>
#map1 = affine_map<(d0, d1) -> (0, 0, 0)>
module attributes {stable_mosaic.version = 14 : i64} {
  func.func @agg_kernel(%arg0: i32, %arg1: i32, %arg2: memref<10000x128xf32, #tpu.memory_space<hbm>>, %arg3: memref<32x125x80xi32, #tpu.memory_space<hbm>>, %arg4: memref<32x125x80xi32, #tpu.memory_space<hbm>>, %arg5: memref<2x10000x128xf32, #tpu.memory_space<hbm>>, %arg6: memref<10000x128xf32, #tpu.memory_space<vmem_shared>>, %arg7: memref<125x80xi32, #tpu.memory_space<vmem>>, %arg8: memref<125x80xi32, #tpu.memory_space<vmem>>, %arg9: memref<80x128xf32, #tpu.memory_space<vmem>>, %arg10: memref<80x128xf32, #tpu.memory_space<vmem>>, %arg11: memref<80x128xf32, #tpu.memory_space<vmem>>, %arg12: memref<!tpu.dma_semaphore, #tpu.memory_space<semaphore_mem>>, %arg13: memref<!tpu.dma_semaphore, #tpu.memory_space<semaphore_mem>>, %arg14: memref<!tpu.dma_semaphore, #tpu.memory_space<semaphore_mem>>) attributes {dimension_semantics = [#tpu.dimension_semantics<core_parallel>, #tpu.dimension_semantics<subcore_parallel>], iteration_bounds = array<i64: 2, 16>, scalar_prefetch = 0 : i64, scratch_operands = 9 : i64, tpu.core_type = #tpu.core_type<sc_vector_subcore>, window_params = [{transform_indices = #map}, {transform_indices = #map1}, {transform_indices = #map1}, {transform_indices = #map1}]} {
    %mul3A = arith.constant 16 : i32
    %mul3A_0 = arith.muli %arg0, %mul3A : i32
    %add3A = arith.addi %mul3A_0, %arg1 : i32
    %lt3A = arith.constant 10 : i32
    %lt3A_1 = arith.cmpi slt, %arg1, %lt3A : i32
    %convert_element_type3A = arith.extui %lt3A_1 : i1 to i32
    %cond3A = arith.constant 0 : i32
    %cond3A_2 = arith.cmpi ne, %convert_element_type3A, %cond3A : i32
    scf.if %cond3A_2 {
      %mul3A_33 = arith.constant 1000 : i32
      %mul3A_34 = arith.muli %arg1, %mul3A_33 : i32
      "tpu.region"() ({
        %run_scoped3A = tpu.sem_alloc : memref<!tpu.dma_semaphore, #tpu.memory_space<semaphore_mem>>
        %dma_start3A_35 = arith.constant 0 : i32
        %dma_start3A_36 = tpu.memref_slice %arg6[%mul3A_34, %dma_start3A_35] : memref<10000x128xf32, #tpu.memory_space<vmem_shared>> -> memref<1000x128xf32, #tpu.memory_space<vmem_shared>>
        %dma_start3A_37 = arith.constant 0 : i32
        %dma_start3A_38 = tpu.memref_slice %arg2[%mul3A_34, %dma_start3A_37] : memref<10000x128xf32, #tpu.memory_space<hbm>> -> memref<1000x128xf32, #tpu.memory_space<hbm>>
        tpu.enqueue_dma source(%dma_start3A_38 : memref<1000x128xf32, #tpu.memory_space<hbm>>) target(%dma_start3A_36 : memref<1000x128xf32, #tpu.memory_space<vmem_shared>>) target_semaphore(%run_scoped3A : memref<!tpu.dma_semaphore, #tpu.memory_space<semaphore_mem>>)
        %dma_wait3A = arith.constant 0 : i32
        %dma_wait3A_39 = tpu.memref_slice %arg6[%mul3A_34, %dma_wait3A] : memref<10000x128xf32, #tpu.memory_space<vmem_shared>> -> memref<1000x128xf32, #tpu.memory_space<vmem_shared>>
        %dma_wait3A_40 = arith.constant 0 : i32
        %dma_wait3A_41 = tpu.memref_slice %arg2[%mul3A_34, %dma_wait3A_40] : memref<10000x128xf32, #tpu.memory_space<hbm>> -> memref<1000x128xf32, #tpu.memory_space<hbm>>
        tpu.wait_dma2 semaphore(%run_scoped3A : memref<!tpu.dma_semaphore, #tpu.memory_space<semaphore_mem>>) src(%dma_wait3A_41 : memref<1000x128xf32, #tpu.memory_space<hbm>>) dst(%dma_wait3A_39 : memref<1000x128xf32, #tpu.memory_space<vmem_shared>>)
        tpu.yield
      }) : () -> ()
    } else {
    }
    "tpu.region"() ({
      %run_scoped3A = tpu.sem_alloc : memref<!tpu.dma_semaphore, #tpu.memory_space<semaphore_mem>>
      %dma_start3A_33 = arith.constant 0 : i32
      %dma_start3A_34 = arith.constant 0 : i32
      %dma_start3A_35 = tpu.memref_slice %arg3[%add3A, %dma_start3A_33, %dma_start3A_34] : memref<32x125x80xi32, #tpu.memory_space<hbm>> -> memref<1x125x80xi32, #tpu.memory_space<hbm>>
      %dma_start3A_36 = tpu.memref_squeeze %dma_start3A_35 : memref<1x125x80xi32, #tpu.memory_space<hbm>> -> memref<125x80xi32, #tpu.memory_space<hbm>>
      %dma_start3A_37 = arith.constant 0 : i32
      %dma_start3A_38 = arith.constant 0 : i32
      %dma_start3A_39 = tpu.memref_slice %arg3[%add3A, %dma_start3A_37, %dma_start3A_38] : memref<32x125x80xi32, #tpu.memory_space<hbm>> -> memref<1x125x80xi32, #tpu.memory_space<hbm>>
      %dma_start3A_40 = tpu.memref_squeeze %dma_start3A_39 : memref<1x125x80xi32, #tpu.memory_space<hbm>> -> memref<125x80xi32, #tpu.memory_space<hbm>>
      tpu.enqueue_dma source(%dma_start3A_40 : memref<125x80xi32, #tpu.memory_space<hbm>>) target(%arg7 : memref<125x80xi32, #tpu.memory_space<vmem>>) target_semaphore(%run_scoped3A : memref<!tpu.dma_semaphore, #tpu.memory_space<semaphore_mem>>)
      %dma_wait3A = arith.constant 0 : i32
      %dma_wait3A_41 = arith.constant 0 : i32
      %dma_wait3A_42 = tpu.memref_slice %arg3[%add3A, %dma_wait3A, %dma_wait3A_41] : memref<32x125x80xi32, #tpu.memory_space<hbm>> -> memref<1x125x80xi32, #tpu.memory_space<hbm>>
      %dma_wait3A_43 = tpu.memref_squeeze %dma_wait3A_42 : memref<1x125x80xi32, #tpu.memory_space<hbm>> -> memref<125x80xi32, #tpu.memory_space<hbm>>
      %dma_wait3A_44 = arith.constant 0 : i32
      %dma_wait3A_45 = arith.constant 0 : i32
      %dma_wait3A_46 = tpu.memref_slice %arg3[%add3A, %dma_wait3A_44, %dma_wait3A_45] : memref<32x125x80xi32, #tpu.memory_space<hbm>> -> memref<1x125x80xi32, #tpu.memory_space<hbm>>
      %dma_wait3A_47 = tpu.memref_squeeze %dma_wait3A_46 : memref<1x125x80xi32, #tpu.memory_space<hbm>> -> memref<125x80xi32, #tpu.memory_space<hbm>>
      tpu.wait_dma2 semaphore(%run_scoped3A : memref<!tpu.dma_semaphore, #tpu.memory_space<semaphore_mem>>) src(%dma_wait3A_47 : memref<125x80xi32, #tpu.memory_space<hbm>>) dst(%arg7 : memref<125x80xi32, #tpu.memory_space<vmem>>)
      tpu.yield
    }) : () -> ()
    "tpu.region"() ({
      %run_scoped3A = tpu.sem_alloc : memref<!tpu.dma_semaphore, #tpu.memory_space<semaphore_mem>>
      %dma_start3A_33 = arith.constant 0 : i32
      %dma_start3A_34 = arith.constant 0 : i32
      %dma_start3A_35 = tpu.memref_slice %arg4[%add3A, %dma_start3A_33, %dma_start3A_34] : memref<32x125x80xi32, #tpu.memory_space<hbm>> -> memref<1x125x80xi32, #tpu.memory_space<hbm>>
      %dma_start3A_36 = tpu.memref_squeeze %dma_start3A_35 : memref<1x125x80xi32, #tpu.memory_space<hbm>> -> memref<125x80xi32, #tpu.memory_space<hbm>>
      %dma_start3A_37 = arith.constant 0 : i32
      %dma_start3A_38 = arith.constant 0 : i32
      %dma_start3A_39 = tpu.memref_slice %arg4[%add3A, %dma_start3A_37, %dma_start3A_38] : memref<32x125x80xi32, #tpu.memory_space<hbm>> -> memref<1x125x80xi32, #tpu.memory_space<hbm>>
      %dma_start3A_40 = tpu.memref_squeeze %dma_start3A_39 : memref<1x125x80xi32, #tpu.memory_space<hbm>> -> memref<125x80xi32, #tpu.memory_space<hbm>>
      tpu.enqueue_dma source(%dma_start3A_40 : memref<125x80xi32, #tpu.memory_space<hbm>>) target(%arg8 : memref<125x80xi32, #tpu.memory_space<vmem>>) target_semaphore(%run_scoped3A : memref<!tpu.dma_semaphore, #tpu.memory_space<semaphore_mem>>)
      %dma_wait3A = arith.constant 0 : i32
      %dma_wait3A_41 = arith.constant 0 : i32
      %dma_wait3A_42 = tpu.memref_slice %arg4[%add3A, %dma_wait3A, %dma_wait3A_41] : memref<32x125x80xi32, #tpu.memory_space<hbm>> -> memref<1x125x80xi32, #tpu.memory_space<hbm>>
      %dma_wait3A_43 = tpu.memref_squeeze %dma_wait3A_42 : memref<1x125x80xi32, #tpu.memory_space<hbm>> -> memref<125x80xi32, #tpu.memory_space<hbm>>
      %dma_wait3A_44 = arith.constant 0 : i32
      %dma_wait3A_45 = arith.constant 0 : i32
      %dma_wait3A_46 = tpu.memref_slice %arg4[%add3A, %dma_wait3A_44, %dma_wait3A_45] : memref<32x125x80xi32, #tpu.memory_space<hbm>> -> memref<1x125x80xi32, #tpu.memory_space<hbm>>
      %dma_wait3A_47 = tpu.memref_squeeze %dma_wait3A_46 : memref<1x125x80xi32, #tpu.memory_space<hbm>> -> memref<125x80xi32, #tpu.memory_space<hbm>>
      tpu.wait_dma2 semaphore(%run_scoped3A : memref<!tpu.dma_semaphore, #tpu.memory_space<semaphore_mem>>) src(%dma_wait3A_47 : memref<125x80xi32, #tpu.memory_space<hbm>>) dst(%arg8 : memref<125x80xi32, #tpu.memory_space<vmem>>)
      tpu.yield
    }) : () -> ()
    %barrier3A = arith.constant 0 : index
    tpu.barrier barrier_id(%barrier3A)
    %dma_start3A = arith.constant 0 : i32
    %dma_start3A_3 = arith.constant 0 : i32
    %dma_start3A_4 = tpu.memref_slice %arg7[%dma_start3A, %dma_start3A_3] : memref<125x80xi32, #tpu.memory_space<vmem>> -> memref<1x80xi32, #tpu.memory_space<vmem>>
    %dma_start3A_5 = tpu.memref_squeeze %dma_start3A_4 : memref<1x80xi32, #tpu.memory_space<vmem>> -> memref<80xi32, #tpu.memory_space<vmem>>
    %dma_start3A_6 = arith.constant 0 : i32
    %dma_start3A_7 = arith.constant 0 : i32
    %dma_start3A_8 = tpu.memref_slice %arg2[%dma_start3A_6, %dma_start3A_7] : memref<10000x128xf32, #tpu.memory_space<hbm>> -> memref<10000x128xf32, #tpu.memory_space<hbm>>
    tpu.enqueue_indirect_dma source(%dma_start3A_8 : memref<10000x128xf32, #tpu.memory_space<hbm>>) target(%arg9 : memref<80x128xf32, #tpu.memory_space<vmem>>) offsets(%dma_start3A_5 : memref<80xi32, #tpu.memory_space<vmem>>) semaphore(%arg12 : memref<!tpu.dma_semaphore, #tpu.memory_space<semaphore_mem>>)
    %dma_start3A_9 = arith.constant 1 : i32
    %dma_start3A_10 = arith.constant 0 : i32
    %dma_start3A_11 = tpu.memref_slice %arg7[%dma_start3A_9, %dma_start3A_10] : memref<125x80xi32, #tpu.memory_space<vmem>> -> memref<1x80xi32, #tpu.memory_space<vmem>>
    %dma_start3A_12 = tpu.memref_squeeze %dma_start3A_11 : memref<1x80xi32, #tpu.memory_space<vmem>> -> memref<80xi32, #tpu.memory_space<vmem>>
    %dma_start3A_13 = arith.constant 0 : i32
    %dma_start3A_14 = arith.constant 0 : i32
    %dma_start3A_15 = tpu.memref_slice %arg2[%dma_start3A_13, %dma_start3A_14] : memref<10000x128xf32, #tpu.memory_space<hbm>> -> memref<10000x128xf32, #tpu.memory_space<hbm>>
    tpu.enqueue_indirect_dma source(%dma_start3A_15 : memref<10000x128xf32, #tpu.memory_space<hbm>>) target(%arg10 : memref<80x128xf32, #tpu.memory_space<vmem>>) offsets(%dma_start3A_12 : memref<80xi32, #tpu.memory_space<vmem>>) semaphore(%arg13 : memref<!tpu.dma_semaphore, #tpu.memory_space<semaphore_mem>>)
    %dma_start3A_16 = arith.constant 2 : i32
    %dma_start3A_17 = arith.constant 0 : i32
    %dma_start3A_18 = tpu.memref_slice %arg7[%dma_start3A_16, %dma_start3A_17] : memref<125x80xi32, #tpu.memory_space<vmem>> -> memref<1x80xi32, #tpu.memory_space<vmem>>
    %dma_start3A_19 = tpu.memref_squeeze %dma_start3A_18 : memref<1x80xi32, #tpu.memory_space<vmem>> -> memref<80xi32, #tpu.memory_space<vmem>>
    %dma_start3A_20 = arith.constant 0 : i32
    %dma_start3A_21 = arith.constant 0 : i32
    %dma_start3A_22 = tpu.memref_slice %arg2[%dma_start3A_20, %dma_start3A_21] : memref<10000x128xf32, #tpu.memory_space<hbm>> -> memref<10000x128xf32, #tpu.memory_space<hbm>>
    tpu.enqueue_indirect_dma source(%dma_start3A_22 : memref<10000x128xf32, #tpu.memory_space<hbm>>) target(%arg11 : memref<80x128xf32, #tpu.memory_space<vmem>>) offsets(%dma_start3A_19 : memref<80xi32, #tpu.memory_space<vmem>>) semaphore(%arg14 : memref<!tpu.dma_semaphore, #tpu.memory_space<semaphore_mem>>)
    %scan3A = arith.constant 0 : i32
    %scan3A_23 = arith.constant 42 : i32
    %scan3A_24 = arith.addi %scan3A, %scan3A_23 : i32
    %scan3A_25 = arith.constant 1 : i32
    scf.for %scan3A_33 = %scan3A to %scan3A_24 step %scan3A_25  : i32 {
      %mul3A_34 = arith.constant 3 : i32
      %mul3A_35 = arith.muli %scan3A_33, %mul3A_34 : i32
      %add3A_36 = arith.constant 0 : i32
      %add3A_37 = arith.addi %add3A_36, %mul3A_35 : i32
      %add3A_38 = arith.constant 0 : i32
      %add3A_39 = arith.addi %add3A_37, %add3A_38 : i32
      %lt3A_40 = arith.constant 125 : i32
      %lt3A_41 = arith.cmpi slt, %add3A_39, %lt3A_40 : i32
      %convert_element_type3A_42 = arith.extui %lt3A_41 : i1 to i32
      %cond3A_43 = arith.constant 0 : i32
      %cond3A_44 = arith.cmpi ne, %convert_element_type3A_42, %cond3A_43 : i32
      scf.if %cond3A_44 {
        %dma_wait3A = arith.constant 0 : i32
        %dma_wait3A_59 = tpu.memref_slice %arg7[%add3A_39, %dma_wait3A] : memref<125x80xi32, #tpu.memory_space<vmem>> -> memref<1x80xi32, #tpu.memory_space<vmem>>
        %dma_wait3A_60 = tpu.memref_squeeze %dma_wait3A_59 : memref<1x80xi32, #tpu.memory_space<vmem>> -> memref<80xi32, #tpu.memory_space<vmem>>
        %dma_wait3A_61 = arith.constant 0 : i32
        %dma_wait3A_62 = arith.constant 0 : i32
        %dma_wait3A_63 = tpu.memref_slice %arg2[%dma_wait3A_61, %dma_wait3A_62] : memref<10000x128xf32, #tpu.memory_space<hbm>> -> memref<10000x128xf32, #tpu.memory_space<hbm>>
        tpu.wait_indirect_dma semaphore(%arg12 : memref<!tpu.dma_semaphore, #tpu.memory_space<semaphore_mem>>) src(%dma_wait3A_63 : memref<10000x128xf32, #tpu.memory_space<hbm>>) dst(%arg9 : memref<80x128xf32, #tpu.memory_space<vmem>>)
        "tpu.region"() ({
          %run_scoped3A = tpu.sem_alloc : memref<!tpu.dma_semaphore, #tpu.memory_space<semaphore_mem>>
          %dma_start3A_71 = arith.constant 0 : i32
          %dma_start3A_72 = tpu.memref_slice %arg8[%add3A_39, %dma_start3A_71] : memref<125x80xi32, #tpu.memory_space<vmem>> -> memref<1x80xi32, #tpu.memory_space<vmem>>
          %dma_start3A_73 = tpu.memref_squeeze %dma_start3A_72 : memref<1x80xi32, #tpu.memory_space<vmem>> -> memref<80xi32, #tpu.memory_space<vmem>>
          %dma_start3A_74 = arith.constant 0 : i32
          %dma_start3A_75 = arith.constant 0 : i32
          %dma_start3A_76 = tpu.memref_slice %arg6[%dma_start3A_74, %dma_start3A_75] : memref<10000x128xf32, #tpu.memory_space<vmem_shared>> -> memref<10000x128xf32, #tpu.memory_space<vmem_shared>>
          tpu.enqueue_indirect_dma source(%arg9 : memref<80x128xf32, #tpu.memory_space<vmem>>) target(%dma_start3A_76 : memref<10000x128xf32, #tpu.memory_space<vmem_shared>>) offsets(%dma_start3A_73 : memref<80xi32, #tpu.memory_space<vmem>>) semaphore(%run_scoped3A : memref<!tpu.dma_semaphore, #tpu.memory_space<semaphore_mem>>) {add = true}
          %dma_wait3A_77 = arith.constant 0 : i32
          %dma_wait3A_78 = tpu.memref_slice %arg8[%add3A_39, %dma_wait3A_77] : memref<125x80xi32, #tpu.memory_space<vmem>> -> memref<1x80xi32, #tpu.memory_space<vmem>>
          %dma_wait3A_79 = tpu.memref_squeeze %dma_wait3A_78 : memref<1x80xi32, #tpu.memory_space<vmem>> -> memref<80xi32, #tpu.memory_space<vmem>>
          %dma_wait3A_80 = arith.constant 0 : i32
          %dma_wait3A_81 = arith.constant 0 : i32
          %dma_wait3A_82 = tpu.memref_slice %arg6[%dma_wait3A_80, %dma_wait3A_81] : memref<10000x128xf32, #tpu.memory_space<vmem_shared>> -> memref<10000x128xf32, #tpu.memory_space<vmem_shared>>
          tpu.wait_indirect_dma semaphore(%run_scoped3A : memref<!tpu.dma_semaphore, #tpu.memory_space<semaphore_mem>>) src(%arg9 : memref<80x128xf32, #tpu.memory_space<vmem>>) dst(%dma_wait3A_82 : memref<10000x128xf32, #tpu.memory_space<vmem_shared>>)
          tpu.yield
        }) : () -> ()
        %add3A_64 = arith.constant 3 : i32
        %add3A_65 = arith.addi %add3A_39, %add3A_64 : i32
        %lt3A_66 = arith.constant 125 : i32
        %lt3A_67 = arith.cmpi slt, %add3A_65, %lt3A_66 : i32
        %convert_element_type3A_68 = arith.extui %lt3A_67 : i1 to i32
        %cond3A_69 = arith.constant 0 : i32
        %cond3A_70 = arith.cmpi ne, %convert_element_type3A_68, %cond3A_69 : i32
        scf.if %cond3A_70 {
          %add3A_71 = arith.constant 3 : i32
          %add3A_72 = arith.addi %add3A_39, %add3A_71 : i32
          %dma_start3A_73 = arith.constant 0 : i32
          %dma_start3A_74 = tpu.memref_slice %arg7[%add3A_72, %dma_start3A_73] : memref<125x80xi32, #tpu.memory_space<vmem>> -> memref<1x80xi32, #tpu.memory_space<vmem>>
          %dma_start3A_75 = tpu.memref_squeeze %dma_start3A_74 : memref<1x80xi32, #tpu.memory_space<vmem>> -> memref<80xi32, #tpu.memory_space<vmem>>
          %dma_start3A_76 = arith.constant 0 : i32
          %dma_start3A_77 = arith.constant 0 : i32
          %dma_start3A_78 = tpu.memref_slice %arg2[%dma_start3A_76, %dma_start3A_77] : memref<10000x128xf32, #tpu.memory_space<hbm>> -> memref<10000x128xf32, #tpu.memory_space<hbm>>
          tpu.enqueue_indirect_dma source(%dma_start3A_78 : memref<10000x128xf32, #tpu.memory_space<hbm>>) target(%arg9 : memref<80x128xf32, #tpu.memory_space<vmem>>) offsets(%dma_start3A_75 : memref<80xi32, #tpu.memory_space<vmem>>) semaphore(%arg12 : memref<!tpu.dma_semaphore, #tpu.memory_space<semaphore_mem>>)
        } else {
        }
      } else {
      }
      %add3A_45 = arith.constant 1 : i32
      %add3A_46 = arith.addi %add3A_37, %add3A_45 : i32
      %lt3A_47 = arith.constant 125 : i32
      %lt3A_48 = arith.cmpi slt, %add3A_46, %lt3A_47 : i32
      %convert_element_type3A_49 = arith.extui %lt3A_48 : i1 to i32
      %cond3A_50 = arith.constant 0 : i32
      %cond3A_51 = arith.cmpi ne, %convert_element_type3A_49, %cond3A_50 : i32
      scf.if %cond3A_51 {
        %dma_wait3A = arith.constant 0 : i32
        %dma_wait3A_59 = tpu.memref_slice %arg7[%add3A_46, %dma_wait3A] : memref<125x80xi32, #tpu.memory_space<vmem>> -> memref<1x80xi32, #tpu.memory_space<vmem>>
        %dma_wait3A_60 = tpu.memref_squeeze %dma_wait3A_59 : memref<1x80xi32, #tpu.memory_space<vmem>> -> memref<80xi32, #tpu.memory_space<vmem>>
        %dma_wait3A_61 = arith.constant 0 : i32
        %dma_wait3A_62 = arith.constant 0 : i32
        %dma_wait3A_63 = tpu.memref_slice %arg2[%dma_wait3A_61, %dma_wait3A_62] : memref<10000x128xf32, #tpu.memory_space<hbm>> -> memref<10000x128xf32, #tpu.memory_space<hbm>>
        tpu.wait_indirect_dma semaphore(%arg13 : memref<!tpu.dma_semaphore, #tpu.memory_space<semaphore_mem>>) src(%dma_wait3A_63 : memref<10000x128xf32, #tpu.memory_space<hbm>>) dst(%arg10 : memref<80x128xf32, #tpu.memory_space<vmem>>)
        "tpu.region"() ({
          %run_scoped3A = tpu.sem_alloc : memref<!tpu.dma_semaphore, #tpu.memory_space<semaphore_mem>>
          %dma_start3A_71 = arith.constant 0 : i32
          %dma_start3A_72 = tpu.memref_slice %arg8[%add3A_46, %dma_start3A_71] : memref<125x80xi32, #tpu.memory_space<vmem>> -> memref<1x80xi32, #tpu.memory_space<vmem>>
          %dma_start3A_73 = tpu.memref_squeeze %dma_start3A_72 : memref<1x80xi32, #tpu.memory_space<vmem>> -> memref<80xi32, #tpu.memory_space<vmem>>
          %dma_start3A_74 = arith.constant 0 : i32
          %dma_start3A_75 = arith.constant 0 : i32
          %dma_start3A_76 = tpu.memref_slice %arg6[%dma_start3A_74, %dma_start3A_75] : memref<10000x128xf32, #tpu.memory_space<vmem_shared>> -> memref<10000x128xf32, #tpu.memory_space<vmem_shared>>
          tpu.enqueue_indirect_dma source(%arg10 : memref<80x128xf32, #tpu.memory_space<vmem>>) target(%dma_start3A_76 : memref<10000x128xf32, #tpu.memory_space<vmem_shared>>) offsets(%dma_start3A_73 : memref<80xi32, #tpu.memory_space<vmem>>) semaphore(%run_scoped3A : memref<!tpu.dma_semaphore, #tpu.memory_space<semaphore_mem>>) {add = true}
          %dma_wait3A_77 = arith.constant 0 : i32
          %dma_wait3A_78 = tpu.memref_slice %arg8[%add3A_46, %dma_wait3A_77] : memref<125x80xi32, #tpu.memory_space<vmem>> -> memref<1x80xi32, #tpu.memory_space<vmem>>
          %dma_wait3A_79 = tpu.memref_squeeze %dma_wait3A_78 : memref<1x80xi32, #tpu.memory_space<vmem>> -> memref<80xi32, #tpu.memory_space<vmem>>
          %dma_wait3A_80 = arith.constant 0 : i32
          %dma_wait3A_81 = arith.constant 0 : i32
          %dma_wait3A_82 = tpu.memref_slice %arg6[%dma_wait3A_80, %dma_wait3A_81] : memref<10000x128xf32, #tpu.memory_space<vmem_shared>> -> memref<10000x128xf32, #tpu.memory_space<vmem_shared>>
          tpu.wait_indirect_dma semaphore(%run_scoped3A : memref<!tpu.dma_semaphore, #tpu.memory_space<semaphore_mem>>) src(%arg10 : memref<80x128xf32, #tpu.memory_space<vmem>>) dst(%dma_wait3A_82 : memref<10000x128xf32, #tpu.memory_space<vmem_shared>>)
          tpu.yield
        }) : () -> ()
        %add3A_64 = arith.constant 3 : i32
        %add3A_65 = arith.addi %add3A_46, %add3A_64 : i32
        %lt3A_66 = arith.constant 125 : i32
        %lt3A_67 = arith.cmpi slt, %add3A_65, %lt3A_66 : i32
        %convert_element_type3A_68 = arith.extui %lt3A_67 : i1 to i32
        %cond3A_69 = arith.constant 0 : i32
        %cond3A_70 = arith.cmpi ne, %convert_element_type3A_68, %cond3A_69 : i32
        scf.if %cond3A_70 {
          %add3A_71 = arith.constant 3 : i32
          %add3A_72 = arith.addi %add3A_46, %add3A_71 : i32
          %dma_start3A_73 = arith.constant 0 : i32
          %dma_start3A_74 = tpu.memref_slice %arg7[%add3A_72, %dma_start3A_73] : memref<125x80xi32, #tpu.memory_space<vmem>> -> memref<1x80xi32, #tpu.memory_space<vmem>>
          %dma_start3A_75 = tpu.memref_squeeze %dma_start3A_74 : memref<1x80xi32, #tpu.memory_space<vmem>> -> memref<80xi32, #tpu.memory_space<vmem>>
          %dma_start3A_76 = arith.constant 0 : i32
          %dma_start3A_77 = arith.constant 0 : i32
          %dma_start3A_78 = tpu.memref_slice %arg2[%dma_start3A_76, %dma_start3A_77] : memref<10000x128xf32, #tpu.memory_space<hbm>> -> memref<10000x128xf32, #tpu.memory_space<hbm>>
          tpu.enqueue_indirect_dma source(%dma_start3A_78 : memref<10000x128xf32, #tpu.memory_space<hbm>>) target(%arg10 : memref<80x128xf32, #tpu.memory_space<vmem>>) offsets(%dma_start3A_75 : memref<80xi32, #tpu.memory_space<vmem>>) semaphore(%arg13 : memref<!tpu.dma_semaphore, #tpu.memory_space<semaphore_mem>>)
        } else {
        }
      } else {
      }
      %add3A_52 = arith.constant 2 : i32
      %add3A_53 = arith.addi %add3A_37, %add3A_52 : i32
      %lt3A_54 = arith.constant 125 : i32
      %lt3A_55 = arith.cmpi slt, %add3A_53, %lt3A_54 : i32
      %convert_element_type3A_56 = arith.extui %lt3A_55 : i1 to i32
      %cond3A_57 = arith.constant 0 : i32
      %cond3A_58 = arith.cmpi ne, %convert_element_type3A_56, %cond3A_57 : i32
      scf.if %cond3A_58 {
        %dma_wait3A = arith.constant 0 : i32
        %dma_wait3A_59 = tpu.memref_slice %arg7[%add3A_53, %dma_wait3A] : memref<125x80xi32, #tpu.memory_space<vmem>> -> memref<1x80xi32, #tpu.memory_space<vmem>>
        %dma_wait3A_60 = tpu.memref_squeeze %dma_wait3A_59 : memref<1x80xi32, #tpu.memory_space<vmem>> -> memref<80xi32, #tpu.memory_space<vmem>>
        %dma_wait3A_61 = arith.constant 0 : i32
        %dma_wait3A_62 = arith.constant 0 : i32
        %dma_wait3A_63 = tpu.memref_slice %arg2[%dma_wait3A_61, %dma_wait3A_62] : memref<10000x128xf32, #tpu.memory_space<hbm>> -> memref<10000x128xf32, #tpu.memory_space<hbm>>
        tpu.wait_indirect_dma semaphore(%arg14 : memref<!tpu.dma_semaphore, #tpu.memory_space<semaphore_mem>>) src(%dma_wait3A_63 : memref<10000x128xf32, #tpu.memory_space<hbm>>) dst(%arg11 : memref<80x128xf32, #tpu.memory_space<vmem>>)
        "tpu.region"() ({
          %run_scoped3A = tpu.sem_alloc : memref<!tpu.dma_semaphore, #tpu.memory_space<semaphore_mem>>
          %dma_start3A_71 = arith.constant 0 : i32
          %dma_start3A_72 = tpu.memref_slice %arg8[%add3A_53, %dma_start3A_71] : memref<125x80xi32, #tpu.memory_space<vmem>> -> memref<1x80xi32, #tpu.memory_space<vmem>>
          %dma_start3A_73 = tpu.memref_squeeze %dma_start3A_72 : memref<1x80xi32, #tpu.memory_space<vmem>> -> memref<80xi32, #tpu.memory_space<vmem>>
          %dma_start3A_74 = arith.constant 0 : i32
          %dma_start3A_75 = arith.constant 0 : i32
          %dma_start3A_76 = tpu.memref_slice %arg6[%dma_start3A_74, %dma_start3A_75] : memref<10000x128xf32, #tpu.memory_space<vmem_shared>> -> memref<10000x128xf32, #tpu.memory_space<vmem_shared>>
          tpu.enqueue_indirect_dma source(%arg11 : memref<80x128xf32, #tpu.memory_space<vmem>>) target(%dma_start3A_76 : memref<10000x128xf32, #tpu.memory_space<vmem_shared>>) offsets(%dma_start3A_73 : memref<80xi32, #tpu.memory_space<vmem>>) semaphore(%run_scoped3A : memref<!tpu.dma_semaphore, #tpu.memory_space<semaphore_mem>>) {add = true}
          %dma_wait3A_77 = arith.constant 0 : i32
          %dma_wait3A_78 = tpu.memref_slice %arg8[%add3A_53, %dma_wait3A_77] : memref<125x80xi32, #tpu.memory_space<vmem>> -> memref<1x80xi32, #tpu.memory_space<vmem>>
          %dma_wait3A_79 = tpu.memref_squeeze %dma_wait3A_78 : memref<1x80xi32, #tpu.memory_space<vmem>> -> memref<80xi32, #tpu.memory_space<vmem>>
          %dma_wait3A_80 = arith.constant 0 : i32
          %dma_wait3A_81 = arith.constant 0 : i32
          %dma_wait3A_82 = tpu.memref_slice %arg6[%dma_wait3A_80, %dma_wait3A_81] : memref<10000x128xf32, #tpu.memory_space<vmem_shared>> -> memref<10000x128xf32, #tpu.memory_space<vmem_shared>>
          tpu.wait_indirect_dma semaphore(%run_scoped3A : memref<!tpu.dma_semaphore, #tpu.memory_space<semaphore_mem>>) src(%arg11 : memref<80x128xf32, #tpu.memory_space<vmem>>) dst(%dma_wait3A_82 : memref<10000x128xf32, #tpu.memory_space<vmem_shared>>)
          tpu.yield
        }) : () -> ()
        %add3A_64 = arith.constant 3 : i32
        %add3A_65 = arith.addi %add3A_53, %add3A_64 : i32
        %lt3A_66 = arith.constant 125 : i32
        %lt3A_67 = arith.cmpi slt, %add3A_65, %lt3A_66 : i32
        %convert_element_type3A_68 = arith.extui %lt3A_67 : i1 to i32
        %cond3A_69 = arith.constant 0 : i32
        %cond3A_70 = arith.cmpi ne, %convert_element_type3A_68, %cond3A_69 : i32
        scf.if %cond3A_70 {
          %add3A_71 = arith.constant 3 : i32
          %add3A_72 = arith.addi %add3A_53, %add3A_71 : i32
          %dma_start3A_73 = arith.constant 0 : i32
          %dma_start3A_74 = tpu.memref_slice %arg7[%add3A_72, %dma_start3A_73] : memref<125x80xi32, #tpu.memory_space<vmem>> -> memref<1x80xi32, #tpu.memory_space<vmem>>
          %dma_start3A_75 = tpu.memref_squeeze %dma_start3A_74 : memref<1x80xi32, #tpu.memory_space<vmem>> -> memref<80xi32, #tpu.memory_space<vmem>>
          %dma_start3A_76 = arith.constant 0 : i32
          %dma_start3A_77 = arith.constant 0 : i32
          %dma_start3A_78 = tpu.memref_slice %arg2[%dma_start3A_76, %dma_start3A_77] : memref<10000x128xf32, #tpu.memory_space<hbm>> -> memref<10000x128xf32, #tpu.memory_space<hbm>>
          tpu.enqueue_indirect_dma source(%dma_start3A_78 : memref<10000x128xf32, #tpu.memory_space<hbm>>) target(%arg11 : memref<80x128xf32, #tpu.memory_space<vmem>>) offsets(%dma_start3A_75 : memref<80xi32, #tpu.memory_space<vmem>>) semaphore(%arg14 : memref<!tpu.dma_semaphore, #tpu.memory_space<semaphore_mem>>)
        } else {
        }
      } else {
      }
    }
    %scan3A_26 = arith.constant 42 : i32
    %barrier3A_27 = arith.constant 0 : index
    tpu.barrier barrier_id(%barrier3A_27)
    %lt3A_28 = arith.constant 10 : i32
    %lt3A_29 = arith.cmpi slt, %arg1, %lt3A_28 : i32
    %convert_element_type3A_30 = arith.extui %lt3A_29 : i1 to i32
    %cond3A_31 = arith.constant 0 : i32
    %cond3A_32 = arith.cmpi ne, %convert_element_type3A_30, %cond3A_31 : i32
    scf.if %cond3A_32 {
      %mul3A_33 = arith.constant 1000 : i32
      %mul3A_34 = arith.muli %arg1, %mul3A_33 : i32
      "tpu.region"() ({
        %run_scoped3A = tpu.sem_alloc : memref<!tpu.dma_semaphore, #tpu.memory_space<semaphore_mem>>
        %dma_start3A_35 = arith.constant 0 : i32
        %dma_start3A_36 = tpu.memref_slice %arg5[%arg0, %mul3A_34, %dma_start3A_35] : memref<2x10000x128xf32, #tpu.memory_space<hbm>> -> memref<1x1000x128xf32, #tpu.memory_space<hbm>>
        %dma_start3A_37 = tpu.memref_squeeze %dma_start3A_36 : memref<1x1000x128xf32, #tpu.memory_space<hbm>> -> memref<1000x128xf32, #tpu.memory_space<hbm>>
        %dma_start3A_38 = arith.constant 0 : i32
        %dma_start3A_39 = tpu.memref_slice %arg6[%mul3A_34, %dma_start3A_38] : memref<10000x128xf32, #tpu.memory_space<vmem_shared>> -> memref<1000x128xf32, #tpu.memory_space<vmem_shared>>
        tpu.enqueue_dma source(%dma_start3A_39 : memref<1000x128xf32, #tpu.memory_space<vmem_shared>>) target(%dma_start3A_37 : memref<1000x128xf32, #tpu.memory_space<hbm>>) target_semaphore(%run_scoped3A : memref<!tpu.dma_semaphore, #tpu.memory_space<semaphore_mem>>)
        %dma_wait3A = arith.constant 0 : i32
        %dma_wait3A_40 = tpu.memref_slice %arg5[%arg0, %mul3A_34, %dma_wait3A] : memref<2x10000x128xf32, #tpu.memory_space<hbm>> -> memref<1x1000x128xf32, #tpu.memory_space<hbm>>
        %dma_wait3A_41 = tpu.memref_squeeze %dma_wait3A_40 : memref<1x1000x128xf32, #tpu.memory_space<hbm>> -> memref<1000x128xf32, #tpu.memory_space<hbm>>
        %dma_wait3A_42 = arith.constant 0 : i32
        %dma_wait3A_43 = tpu.memref_slice %arg6[%mul3A_34, %dma_wait3A_42] : memref<10000x128xf32, #tpu.memory_space<vmem_shared>> -> memref<1000x128xf32, #tpu.memory_space<vmem_shared>>
        tpu.wait_dma2 semaphore(%run_scoped3A : memref<!tpu.dma_semaphore, #tpu.memory_space<semaphore_mem>>) src(%dma_wait3A_43 : memref<1000x128xf32, #tpu.memory_space<vmem_shared>>) dst(%dma_wait3A_41 : memref<1000x128xf32, #tpu.memory_space<hbm>>)
        tpu.yield
      }) : () -> ()
    } else {
    }
    return
  }
}

module attributes {stable_mosaic.version = 14 : i64} {
  func.func @body(%arg0: i32, %arg1: memref<1000x128xf32, #tpu.memory_space<vmem>>, %arg2: memref<128x128xf32, #tpu.memory_space<vmem>>, %arg3: memref<1000x128xf32, #tpu.memory_space<vmem>>) attributes {dimension_semantics = [#tpu.dimension_semantics<arbitrary>], iteration_bounds = array<i64: 10>, scalar_prefetch = 0 : i64, scratch_operands = 0 : i64, tpu.core_type = #tpu.core_type<tc>, window_params = [{transform_indices = @transform_0, window_bounds = array<i64: 1000, 128>}, {pipeline_mode = #tpu.pipeline_mode<synchronous>, transform_indices = @transform_1, window_bounds = array<i64: 128, 128>}, {transform_indices = @transform_2, window_bounds = array<i64: 1000, 128>}]} {
    %get3A = arith.constant 0 : index
    %get3A_0 = arith.constant 0 : index
    %get3A_1 = vector.load %arg1[%get3A, %get3A_0] : memref<1000x128xf32, #tpu.memory_space<vmem>>, vector<1000x128xf32>
    %get3A_2 = arith.constant 0 : index
    %get3A_3 = arith.constant 0 : index
    %get3A_4 = vector.load %arg2[%get3A_2, %get3A_3] : memref<128x128xf32, #tpu.memory_space<vmem>>, vector<128x128xf32>
    %dot_general3A = arith.constant dense<0.000000e+00> : vector<1000x128xf32>
    %dot_general3A_5 = tpu.matmul %get3A_1, %get3A_4, %dot_general3A {dimension_numbers = #tpu.dot_dimension_numbers<[1], [0], [0], [1], [0, 0, 1, 1], [], []>, precision = #tpu.contract_precision<fp32>, transpose_lhs_hint = false} : vector<1000x128xf32>, vector<128x128xf32>, vector<1000x128xf32> -> vector<1000x128xf32>
    %swap3A = arith.constant 0 : index
    %swap3A_6 = arith.constant 0 : index
    %swap3A_7 = vector.load %arg3[%swap3A, %swap3A_6] : memref<1000x128xf32, #tpu.memory_space<vmem>>, vector<1000x128xf32>
    tpu.vector_store %arg3[%swap3A, %swap3A_6], %dot_general3A_5 {strides = array<i32>} : memref<1000x128xf32, #tpu.memory_space<vmem>>, vector<1000x128xf32>,
    return
  }
  func.func @transform_0(%arg0: i32) -> (i32, i32) {
    %c0_i32 = arith.constant 0 : i32
    %c0_i32_0 = arith.constant 0 : i32
    return %arg0, %c0_i32 : i32, i32
  }
  func.func @transform_1(%arg0: i32) -> (i32, i32) {
    %c0_i32 = arith.constant 0 : i32
    %c0_i32_0 = arith.constant 0 : i32
    %c0_i32_1 = arith.constant 0 : i32
    return %c0_i32, %c0_i32_0 : i32, i32
  }
  func.func @transform_2(%arg0: i32) -> (i32, i32) {
    %c0_i32 = arith.constant 0 : i32
    %c0_i32_0 = arith.constant 0 : i32
    return %arg0, %c0_i32 : i32, i32
  }
}

module attributes {stable_mosaic.version = 14 : i64} {
  func.func @body(%arg0: i32, %arg1: memref<1000x128xf32, #tpu.memory_space<vmem>>, %arg2: memref<2x10000x16xf32, #tpu.memory_space<vmem>>, %arg3: memref<1000x128xf32, #tpu.memory_space<vmem>>) attributes {dimension_semantics = [#tpu.dimension_semantics<arbitrary>], iteration_bounds = array<i64: 10>, scalar_prefetch = 0 : i64, scratch_operands = 0 : i64, tpu.core_type = #tpu.core_type<tc>, window_params = [{transform_indices = @transform_0, window_bounds = array<i64: 1000, 128>}, {pipeline_mode = #tpu.pipeline_mode<synchronous>, transform_indices = @transform_1, window_bounds = array<i64: 2, 10000, 16>}, {transform_indices = @transform_2, window_bounds = array<i64: 1000, 128>}]} {
    %get3A = arith.constant 0 : index
    %get3A_0 = arith.constant 0 : index
    %get3A_1 = vector.load %arg1[%get3A, %get3A_0] : memref<1000x128xf32, #tpu.memory_space<vmem>>, vector<1000x128xf32>
    %mul3A = arith.constant 1000 : i32
    %mul3A_2 = arith.muli %arg0, %mul3A : i32
    %get3A_3 = arith.constant 0 : index
    %get3A_4 = arith.index_cast %mul3A_2 : i32 to index
    %get3A_5 = arith.constant 0 : index
    %get3A_6 = vector.load %arg2[%get3A_3, %get3A_4, %get3A_5] : memref<2x10000x16xf32, #tpu.memory_space<vmem>>, vector<2x1000x1xf32>
    %slice3A = vector.extract_strided_slice %get3A_6 {offsets = [0, 0, 0], sizes = [1, 1000, 1], strides = [1, 1, 1]} : vector<2x1000x1xf32> to vector<1x1000x1xf32>
    %squeeze3A = vector.shape_cast %slice3A : vector<1x1000x1xf32> to vector<1000x1xf32>
    %slice3A_7 = vector.extract_strided_slice %get3A_6 {offsets = [1, 0, 0], sizes = [1, 1000, 1], strides = [1, 1, 1]} : vector<2x1000x1xf32> to vector<1x1000x1xf32>
    %squeeze3A_8 = vector.shape_cast %slice3A_7 : vector<1x1000x1xf32> to vector<1000x1xf32>
    %add3A = arith.addf %squeeze3A, %squeeze3A_8 : vector<1000x1xf32>
    %add3A_9 = arith.constant 1.000000e+00 : f32
    %add3A_10 = vector.broadcast %add3A_9 : f32 to vector<1000x1xf32>
    %add3A_11 = arith.addf %add3A, %add3A_10 : vector<1000x1xf32>
    %rsqrt3A = math.rsqrt %add3A_11 : vector<1000x1xf32>
    %mul3A_12 = vector.broadcast %rsqrt3A : vector<1000x1xf32> to vector<1000x128xf32>
    %mul3A_13 = arith.mulf %get3A_1, %mul3A_12 : vector<1000x128xf32>
    %swap3A = arith.constant 0 : index
    %swap3A_14 = arith.constant 0 : index
    %swap3A_15 = vector.load %arg3[%swap3A, %swap3A_14] : memref<1000x128xf32, #tpu.memory_space<vmem>>, vector<1000x128xf32>
    tpu.vector_store %arg3[%swap3A, %swap3A_14], %mul3A_13 {strides = array<i32>} : memref<1000x128xf32, #tpu.memory_space<vmem>>, vector<1000x128xf32>,
    return
  }
  func.func @transform_0(%arg0: i32) -> (i32, i32) {
    %c0_i32 = arith.constant 0 : i32
    %c0_i32_0 = arith.constant 0 : i32
    return %arg0, %c0_i32 : i32, i32
  }
  func.func @transform_1(%arg0: i32) -> (i32, i32, i32) {
    %c0_i32 = arith.constant 0 : i32
    %c0_i32_0 = arith.constant 0 : i32
    %c0_i32_1 = arith.constant 0 : i32
    %c0_i32_2 = arith.constant 0 : i32
    return %c0_i32, %c0_i32_0, %c0_i32_1 : i32, i32, i32
  }
  func.func @transform_2(%arg0: i32) -> (i32, i32) {
    %c0_i32 = arith.constant 0 : i32
    %c0_i32_0 = arith.constant 0 : i32
    return %arg0, %c0_i32 : i32, i32
  }
}

module attributes {stable_mosaic.version = 14 : i64} {
  func.func @body(%arg0: i32, %arg1: memref<2x1000x128xf32, #tpu.memory_space<vmem>>, %arg2: memref<1000x128xf32, #tpu.memory_space<vmem>>, %arg3: memref<2x10000x16xf32, #tpu.memory_space<vmem>>, %arg4: memref<1x128xf32, #tpu.memory_space<vmem>>, %arg5: memref<128x128xf32, #tpu.memory_space<vmem>>, %arg6: memref<1000x128xf32, #tpu.memory_space<vmem>>) attributes {dimension_semantics = [#tpu.dimension_semantics<arbitrary>], iteration_bounds = array<i64: 10>, scalar_prefetch = 0 : i64, scratch_operands = 0 : i64, tpu.core_type = #tpu.core_type<tc>, window_params = [{transform_indices = @transform_0, window_bounds = array<i64: 2, 1000, 128>}, {transform_indices = @transform_1, window_bounds = array<i64: 1000, 128>}, {pipeline_mode = #tpu.pipeline_mode<synchronous>, transform_indices = @transform_2, window_bounds = array<i64: 2, 10000, 16>}, {pipeline_mode = #tpu.pipeline_mode<synchronous>, transform_indices = @transform_3, window_bounds = array<i64: 1, 128>}, {pipeline_mode = #tpu.pipeline_mode<synchronous>, transform_indices = @transform_4, window_bounds = array<i64: 128, 128>}, {transform_indices = @transform_5, window_bounds = array<i64: 1000, 128>}]} {
    %mul3A = arith.constant 1000 : i32
    %mul3A_0 = arith.muli %arg0, %mul3A : i32
    %get3A = arith.constant 0 : index
    %get3A_1 = arith.index_cast %mul3A_0 : i32 to index
    %get3A_2 = arith.constant 0 : index
    %get3A_3 = vector.load %arg3[%get3A, %get3A_1, %get3A_2] : memref<2x10000x16xf32, #tpu.memory_space<vmem>>, vector<2x1000x1xf32>
    %slice3A = vector.extract_strided_slice %get3A_3 {offsets = [0, 0, 0], sizes = [1, 1000, 1], strides = [1, 1, 1]} : vector<2x1000x1xf32> to vector<1x1000x1xf32>
    %squeeze3A = vector.shape_cast %slice3A : vector<1x1000x1xf32> to vector<1000x1xf32>
    %slice3A_4 = vector.extract_strided_slice %get3A_3 {offsets = [1, 0, 0], sizes = [1, 1000, 1], strides = [1, 1, 1]} : vector<2x1000x1xf32> to vector<1x1000x1xf32>
    %squeeze3A_5 = vector.shape_cast %slice3A_4 : vector<1x1000x1xf32> to vector<1000x1xf32>
    %add3A = arith.addf %squeeze3A, %squeeze3A_5 : vector<1000x1xf32>
    %add3A_6 = arith.constant 1.000000e+00 : f32
    %add3A_7 = vector.broadcast %add3A_6 : f32 to vector<1000x1xf32>
    %add3A_8 = arith.addf %add3A, %add3A_7 : vector<1000x1xf32>
    %rsqrt3A = math.rsqrt %add3A_8 : vector<1000x1xf32>
    %get3A_9 = arith.constant 0 : index
    %get3A_10 = arith.constant 0 : index
    %get3A_11 = arith.constant 0 : index
    %get3A_12 = vector.load %arg1[%get3A_9, %get3A_10, %get3A_11] : memref<2x1000x128xf32, #tpu.memory_space<vmem>>, vector<2x1000x128xf32>
    %slice3A_13 = vector.extract_strided_slice %get3A_12 {offsets = [0, 0, 0], sizes = [1, 1000, 128], strides = [1, 1, 1]} : vector<2x1000x128xf32> to vector<1x1000x128xf32>
    %squeeze3A_14 = vector.shape_cast %slice3A_13 : vector<1x1000x128xf32> to vector<1000x128xf32>
    %slice3A_15 = vector.extract_strided_slice %get3A_12 {offsets = [1, 0, 0], sizes = [1, 1000, 128], strides = [1, 1, 1]} : vector<2x1000x128xf32> to vector<1x1000x128xf32>
    %squeeze3A_16 = vector.shape_cast %slice3A_15 : vector<1x1000x128xf32> to vector<1000x128xf32>
    %add3A_17 = arith.addf %squeeze3A_14, %squeeze3A_16 : vector<1000x128xf32>
    %get3A_18 = arith.constant 0 : index
    %get3A_19 = arith.constant 0 : index
    %get3A_20 = vector.load %arg2[%get3A_18, %get3A_19] : memref<1000x128xf32, #tpu.memory_space<vmem>>, vector<1000x128xf32>
    %sub3A = arith.subf %add3A_17, %get3A_20 : vector<1000x128xf32>
    %mul3A_21 = vector.broadcast %rsqrt3A : vector<1000x1xf32> to vector<1000x128xf32>
    %mul3A_22 = arith.mulf %sub3A, %mul3A_21 : vector<1000x128xf32>
    %get3A_23 = arith.constant 0 : index
    %get3A_24 = arith.constant 0 : index
    %get3A_25 = vector.load %arg4[%get3A_23, %get3A_24] : memref<1x128xf32, #tpu.memory_space<vmem>>, vector<1x128xf32>
    %add3A_26 = vector.broadcast %get3A_25 : vector<1x128xf32> to vector<1000x128xf32>
    %add3A_27 = arith.addf %mul3A_22, %add3A_26 : vector<1000x128xf32>
    %max3A = arith.constant 0.000000e+00 : f32
    %max3A_28 = vector.broadcast %max3A : f32 to vector<1000x128xf32>
    %max3A_29 = arith.maximumf %add3A_27, %max3A_28 : vector<1000x128xf32>
    %get3A_30 = arith.constant 0 : index
    %get3A_31 = arith.constant 0 : index
    %get3A_32 = vector.load %arg5[%get3A_30, %get3A_31] : memref<128x128xf32, #tpu.memory_space<vmem>>, vector<128x128xf32>
    %dot_general3A = arith.constant dense<0.000000e+00> : vector<1000x128xf32>
    %dot_general3A_33 = tpu.matmul %max3A_29, %get3A_32, %dot_general3A {dimension_numbers = #tpu.dot_dimension_numbers<[1], [0], [0], [1], [0, 0, 1, 1], [], []>, precision = #tpu.contract_precision<fp32>, transpose_lhs_hint = false} : vector<1000x128xf32>, vector<128x128xf32>, vector<1000x128xf32> -> vector<1000x128xf32>
    %mul3A_34 = vector.broadcast %rsqrt3A : vector<1000x1xf32> to vector<1000x128xf32>
    %mul3A_35 = arith.mulf %dot_general3A_33, %mul3A_34 : vector<1000x128xf32>
    %swap3A = arith.constant 0 : index
    %swap3A_36 = arith.constant 0 : index
    %swap3A_37 = vector.load %arg6[%swap3A, %swap3A_36] : memref<1000x128xf32, #tpu.memory_space<vmem>>, vector<1000x128xf32>
    tpu.vector_store %arg6[%swap3A, %swap3A_36], %mul3A_35 {strides = array<i32>} : memref<1000x128xf32, #tpu.memory_space<vmem>>, vector<1000x128xf32>,
    return
  }
  func.func @transform_0(%arg0: i32) -> (i32, i32, i32) {
    %c0_i32 = arith.constant 0 : i32
    %c0_i32_0 = arith.constant 0 : i32
    %c0_i32_1 = arith.constant 0 : i32
    return %c0_i32, %arg0, %c0_i32_0 : i32, i32, i32
  }
  func.func @transform_1(%arg0: i32) -> (i32, i32) {
    %c0_i32 = arith.constant 0 : i32
    %c0_i32_0 = arith.constant 0 : i32
    return %arg0, %c0_i32 : i32, i32
  }
  func.func @transform_2(%arg0: i32) -> (i32, i32, i32) {
    %c0_i32 = arith.constant 0 : i32
    %c0_i32_0 = arith.constant 0 : i32
    %c0_i32_1 = arith.constant 0 : i32
    %c0_i32_2 = arith.constant 0 : i32
    return %c0_i32, %c0_i32_0, %c0_i32_1 : i32, i32, i32
  }
  func.func @transform_3(%arg0: i32) -> (i32, i32) {
    %c0_i32 = arith.constant 0 : i32
    %c0_i32_0 = arith.constant 0 : i32
    %c0_i32_1 = arith.constant 0 : i32
    return %c0_i32, %c0_i32_0 : i32, i32
  }
  func.func @transform_4(%arg0: i32) -> (i32, i32) {
    %c0_i32 = arith.constant 0 : i32
    %c0_i32_0 = arith.constant 0 : i32
    %c0_i32_1 = arith.constant 0 : i32
    return %c0_i32, %c0_i32_0 : i32, i32
  }
  func.func @transform_5(%arg0: i32) -> (i32, i32) {
    %c0_i32 = arith.constant 0 : i32
    %c0_i32_0 = arith.constant 0 : i32
    return %arg0, %c0_i32 : i32, i32
  }
}

module attributes {stable_mosaic.version = 14 : i64} {
  func.func @body(%arg0: i32, %arg1: memref<2x1000x128xf32, #tpu.memory_space<vmem>>, %arg2: memref<1000x128xf32, #tpu.memory_space<vmem>>, %arg3: memref<2x10000x16xf32, #tpu.memory_space<vmem>>, %arg4: memref<1x128xf32, #tpu.memory_space<vmem>>, %arg5: memref<1000x128xf32, #tpu.memory_space<vmem>>) attributes {dimension_semantics = [#tpu.dimension_semantics<arbitrary>], iteration_bounds = array<i64: 10>, scalar_prefetch = 0 : i64, scratch_operands = 0 : i64, tpu.core_type = #tpu.core_type<tc>, window_params = [{transform_indices = @transform_0, window_bounds = array<i64: 2, 1000, 128>}, {transform_indices = @transform_1, window_bounds = array<i64: 1000, 128>}, {pipeline_mode = #tpu.pipeline_mode<synchronous>, transform_indices = @transform_2, window_bounds = array<i64: 2, 10000, 16>}, {pipeline_mode = #tpu.pipeline_mode<synchronous>, transform_indices = @transform_3, window_bounds = array<i64: 1, 128>}, {transform_indices = @transform_4, window_bounds = array<i64: 1000, 128>}]} {
    %mul3A = arith.constant 1000 : i32
    %mul3A_0 = arith.muli %arg0, %mul3A : i32
    %get3A = arith.constant 0 : index
    %get3A_1 = arith.index_cast %mul3A_0 : i32 to index
    %get3A_2 = arith.constant 0 : index
    %get3A_3 = vector.load %arg3[%get3A, %get3A_1, %get3A_2] : memref<2x10000x16xf32, #tpu.memory_space<vmem>>, vector<2x1000x1xf32>
    %slice3A = vector.extract_strided_slice %get3A_3 {offsets = [0, 0, 0], sizes = [1, 1000, 1], strides = [1, 1, 1]} : vector<2x1000x1xf32> to vector<1x1000x1xf32>
    %squeeze3A = vector.shape_cast %slice3A : vector<1x1000x1xf32> to vector<1000x1xf32>
    %slice3A_4 = vector.extract_strided_slice %get3A_3 {offsets = [1, 0, 0], sizes = [1, 1000, 1], strides = [1, 1, 1]} : vector<2x1000x1xf32> to vector<1x1000x1xf32>
    %squeeze3A_5 = vector.shape_cast %slice3A_4 : vector<1x1000x1xf32> to vector<1000x1xf32>
    %add3A = arith.addf %squeeze3A, %squeeze3A_5 : vector<1000x1xf32>
    %add3A_6 = arith.constant 1.000000e+00 : f32
    %add3A_7 = vector.broadcast %add3A_6 : f32 to vector<1000x1xf32>
    %add3A_8 = arith.addf %add3A, %add3A_7 : vector<1000x1xf32>
    %rsqrt3A = math.rsqrt %add3A_8 : vector<1000x1xf32>
    %get3A_9 = arith.constant 0 : index
    %get3A_10 = arith.constant 0 : index
    %get3A_11 = arith.constant 0 : index
    %get3A_12 = vector.load %arg1[%get3A_9, %get3A_10, %get3A_11] : memref<2x1000x128xf32, #tpu.memory_space<vmem>>, vector<2x1000x128xf32>
    %slice3A_13 = vector.extract_strided_slice %get3A_12 {offsets = [0, 0, 0], sizes = [1, 1000, 128], strides = [1, 1, 1]} : vector<2x1000x128xf32> to vector<1x1000x128xf32>
    %squeeze3A_14 = vector.shape_cast %slice3A_13 : vector<1x1000x128xf32> to vector<1000x128xf32>
    %slice3A_15 = vector.extract_strided_slice %get3A_12 {offsets = [1, 0, 0], sizes = [1, 1000, 128], strides = [1, 1, 1]} : vector<2x1000x128xf32> to vector<1x1000x128xf32>
    %squeeze3A_16 = vector.shape_cast %slice3A_15 : vector<1x1000x128xf32> to vector<1000x128xf32>
    %add3A_17 = arith.addf %squeeze3A_14, %squeeze3A_16 : vector<1000x128xf32>
    %get3A_18 = arith.constant 0 : index
    %get3A_19 = arith.constant 0 : index
    %get3A_20 = vector.load %arg2[%get3A_18, %get3A_19] : memref<1000x128xf32, #tpu.memory_space<vmem>>, vector<1000x128xf32>
    %sub3A = arith.subf %add3A_17, %get3A_20 : vector<1000x128xf32>
    %mul3A_21 = vector.broadcast %rsqrt3A : vector<1000x1xf32> to vector<1000x128xf32>
    %mul3A_22 = arith.mulf %sub3A, %mul3A_21 : vector<1000x128xf32>
    %get3A_23 = arith.constant 0 : index
    %get3A_24 = arith.constant 0 : index
    %get3A_25 = vector.load %arg4[%get3A_23, %get3A_24] : memref<1x128xf32, #tpu.memory_space<vmem>>, vector<1x128xf32>
    %add3A_26 = vector.broadcast %get3A_25 : vector<1x128xf32> to vector<1000x128xf32>
    %add3A_27 = arith.addf %mul3A_22, %add3A_26 : vector<1000x128xf32>
    %swap3A = arith.constant 0 : index
    %swap3A_28 = arith.constant 0 : index
    %swap3A_29 = vector.load %arg5[%swap3A, %swap3A_28] : memref<1000x128xf32, #tpu.memory_space<vmem>>, vector<1000x128xf32>
    tpu.vector_store %arg5[%swap3A, %swap3A_28], %add3A_27 {strides = array<i32>} : memref<1000x128xf32, #tpu.memory_space<vmem>>, vector<1000x128xf32>,
    return
  }
  func.func @transform_0(%arg0: i32) -> (i32, i32, i32) {
    %c0_i32 = arith.constant 0 : i32
    %c0_i32_0 = arith.constant 0 : i32
    %c0_i32_1 = arith.constant 0 : i32
    return %c0_i32, %arg0, %c0_i32_0 : i32, i32, i32
  }
  func.func @transform_1(%arg0: i32) -> (i32, i32) {
    %c0_i32 = arith.constant 0 : i32
    %c0_i32_0 = arith.constant 0 : i32
    return %arg0, %c0_i32 : i32, i32
  }
  func.func @transform_2(%arg0: i32) -> (i32, i32, i32) {
    %c0_i32 = arith.constant 0 : i32
    %c0_i32_0 = arith.constant 0 : i32
    %c0_i32_1 = arith.constant 0 : i32
    %c0_i32_2 = arith.constant 0 : i32
    return %c0_i32, %c0_i32_0, %c0_i32_1 : i32, i32, i32
  }
  func.func @transform_3(%arg0: i32) -> (i32, i32) {
    %c0_i32 = arith.constant 0 : i32
    %c0_i32_0 = arith.constant 0 : i32
    %c0_i32_1 = arith.constant 0 : i32
    return %c0_i32, %c0_i32_0 : i32, i32
  }
  func.func @transform_4(%arg0: i32) -> (i32, i32) {
    %c0_i32 = arith.constant 0 : i32
    %c0_i32_0 = arith.constant 0 : i32
    return %arg0, %c0_i32 : i32, i32
  }
}

</mosaic_0001>

<sc_bundles>
// kernel: kernel.12.cloned.1.call-start
scs
__scs_entry_jumppad:
0x0: {  	(pc) =	sbr.rel $0x88, $3  }
0x1: {  	(tag) =	ssettag $0x0;
	lr =	simm.s32 $0x1  }
0x2: {  	[smem:$0x3F9B] =	sst lr;
	_ =	strace $0xD0000000  }
0x3: {  	_ = 	snop  }
0x4: {  	_ = 	snop  }
0x5: {  	_ = 	snop  }
0x6: {  	_ = 	snop  }
0x7: {  	_ = 	snop  }
__scs_overlays_trampoline_lowered:
0x8: {  	[smem:$0x3FAA] =	sst s0  }
0x9: {  	[smem:$0x3FAB] =	sst s1  }
0xa: {  	[smem:$0x3FAC] =	sst s2  }
0xb: {  	[smem:$0x3FAD] =	sst s3  }
0xc: {  	[smem:$0x3FAE] =	sst s4  }
0xd: {  	[smem:$0x3FAF] =	sst s5  }
0xe: {  	[smem:$0x3FB0] =	sst s6  }
0xf: {  	[smem:$0x3FB1] =	sst s7  }
0x10: {  	[smem:$0x3FB2] =	sst s8  }
0x11: {  	[smem:$0x3FB3] =	sst s9;
	s0 =	simm.s32 @!p0 $0x0  }
0x12: {  	s1 =	sld [smem:$0x3F99];
	s0 =	simm.s32 @p0 $0x1  }
0x13: {  	[smem:$0x3FB4] =	sst s0;
	s0 =	simm.s32 @!p1 $0x0  }
0x14: {  	s2 =	sld [smem:$0x3F98];
	s0 =	simm.s32 @p1 $0x1  }
0x15: {  	[smem:$0x3FB5] =	sst s0;
	s0 =	simm.s32 @!p2 $0x0  }
0x16: {  	s3 =	sld [smem:$0x3FDB];
	s0 =	simm.s32 @p2 $0x1  }
0x17: {  	s4 =	simm.s32 $0x1BF5;
	[smem:$0x3FB7] =	sst s0  }
0x18: {  	s0 =	sld [smem:$0x3F9A];
	_ =	swait.ge [sflag:s4], $0x0  }
0x19: {  	s7 =	sld [smem:$0x3F9B]  }
0x1a: {  	s8 =	sadd.s32 $0xFFFFE003, lr  }
0x1b: {  	s9 =	sadd.s32 $0xFFFFFEF7, lr;
	s5 =	simm.s32 $0xFFFFFFFF;
	p2 =	slt.u32 s8, $0xFFFFF086  }
0x1c: {  	p1 =	slt.u32 s9, $0xF7A;
	s5 =	simm.s32 @!p2 $0x0  }
0x1d: {  	s5 =	simm.s32 @p1 $0x1;
	p0 =	seq.s32 s7, s2  }
0x1e: {  	s7 =	smul.u32 @!p0 $0xF7A, s2;
	p2 =	seq.s32 @!p0 s5, $0x0  }
0x1f: {  	s9 =	smul.u32 $0xF7A, s1;
	s8 =	simm.s32 @!p0 $0x1BF5;
	p2 =	por !p2, p0  }
0x20: {  	[sflag:s8] =	ssyncset.s32 @!p0 $0xFFFFF086;
	s6 =	sadd.s32 @!p0 s3, s7;
	s7 =	simm.s32 @!p0 $0x108  }
0x21: {  	s3 =	sadd.s32 s3, s9;
	s6 =	sadd.s32 @!p0 $0x88, s6;
	s7 =	simm.s32 @p2 $0x1082  }
0x22: {  	[simem:s7], [sflag:s8] =	dma.local @!p0 [hbm:s6], $0xF7A  }
0x23: {  	s9 =	sor.u32 $0xD0000000, s2;
	s6 =	simm.s32 $0x108;
	_ =	swait.ge @!p0 [sflag:s8], $0x0  }
0x24: {  	s3 =	sadd.s32 $0x88, s3;
	s6 =	simm.s32 @!p1 $0x1082;
	[sflag:s4] =	ssyncset.s32 $0xFFFFF086  }
0x25: {  	[simem:s6], [sflag:s4] =	dma.local [hbm:s3], $0xF7A  }
0x26: {  	[smem:$0x3F9B] =	sst s1;
	(tag) =	ssettag s2;
	_ =	strace s9  }
0x27: {  	s1 =	sld [smem:$0x3FAB]  }
0x28: {  	s2 =	sld [smem:$0x3FAC]  }
0x29: {  	s4 =	sld [smem:$0x3FAE]  }
0x2a: {  	p0 =	seq.s32 s5, $0x0;
	s5 =	sld [smem:$0x3FAF]  }
0x2b: {  	s6 =	sld [smem:$0x3FB0]  }
0x2c: {  	s7 =	sld [smem:$0x3FB1]  }
0x2d: {  	s3 =	simm.s32 $0x108;
	s8 =	sld [smem:$0x3FB2]  }
0x2e: {  	s3 =	simm.s32 @!p0 $0x1082;
	s9 =	sld [smem:$0x3FB3]  }
0x2f: {  	lr =	sadd.s32 s0, s3;
	s0 =	sld [smem:$0x3FAA]  }
0x30: {  	s3 =	sld [smem:$0x3FAD]  }
0x31: {  	[smem:$0x3FB6] =	sst s10  }
0x32: {  	s10 =	sld [smem:$0x3FB4];
	_ =	sdelay $0x3  }
0x33: {  	p0 =	seq.s32 s10, $0x1;
	s10 =	sld [smem:$0x3FB6];
	_ =	sdelay $0x3  }
0x34: {  	[smem:$0x3FB6] =	sst s10  }
0x35: {  	s10 =	sld [smem:$0x3FB5];
	_ =	sdelay $0x3  }
0x36: {  	p1 =	seq.s32 s10, $0x1;
	s10 =	sld [smem:$0x3FB6];
	_ =	sdelay $0x3  }
0x37: {  	[smem:$0x3FB6] =	sst s10  }
0x38: {  	s10 =	sld [smem:$0x3FB7]  }
0x39: {  	_ = 	snop;
	(pc) =	sbr.ind lr, $3  }
0x3a: {  	_ = 	snop  }
0x3b: {  	_ = 	snop  }
0x3c: {  	p2 =	seq.s32 s10, $0x1;
	s10 =	sld [smem:$0x3FB6]  }
0x3d: {  	_ =	shalt  }
0x3e: {  	_ =	shalt  }
0x3f: {  	_ =	shalt  }
0x40: {  	_ =	shalt  }
0x41: {  	_ =	shalt  }
0x42: {  	_ =	shalt  }
0x43: {  	_ =	shalt  }
0x44: {  	_ =	shalt  }
0x45: {  	_ =	shalt  }
0x46: {  	_ =	shalt  }
0x47: {  	_ =	shalt  }
0x48: {  	_ =	shalt  }
0x49: {  	_ =	shalt  }
0x4a: {  	_ =	shalt  }
0x4b: {  	_ =	shalt  }
0x4c: {  	_ =	shalt  }
0x4d: {  	_ =	shalt  }
0x4e: {  	_ =	shalt  }
0x4f: {  	_ =	shalt  }
0x50: {  	_ =	shalt  }
0x51: {  	_ =	shalt  }
0x52: {  	_ =	shalt  }
0x53: {  	_ =	shalt  }
0x54: {  	_ =	shalt  }
0x55: {  	_ =	shalt  }
0x56: {  	_ =	shalt  }
0x57: {  	_ =	shalt  }
0x58: {  	_ =	shalt  }
0x59: {  	_ =	shalt  }
0x5a: {  	_ =	shalt  }
0x5b: {  	_ =	shalt  }
0x5c: {  	_ =	shalt  }
0x5d: {  	_ =	shalt  }
0x5e: {  	_ =	shalt  }
0x5f: {  	_ =	shalt  }
0x60: {  	_ =	shalt  }
0x61: {  	_ =	shalt  }
0x62: {  	_ =	shalt  }
0x63: {  	_ =	shalt  }
0x64: {  	_ =	shalt  }
0x65: {  	_ =	shalt  }
0x66: {  	_ =	shalt  }
0x67: {  	_ =	shalt  }
0x68: {  	_ =	shalt  }
0x69: {  	_ =	shalt  }
0x6a: {  	_ =	shalt  }
0x6b: {  	_ =	shalt  }
0x6c: {  	_ =	shalt  }
0x6d: {  	_ =	shalt  }
0x6e: {  	_ =	shalt  }
0x6f: {  	_ =	shalt  }
0x70: {  	_ =	shalt  }
0x71: {  	_ =	shalt  }
0x72: {  	_ =	shalt  }
0x73: {  	_ =	shalt  }
0x74: {  	_ =	shalt  }
0x75: {  	_ =	shalt  }
0x76: {  	_ =	shalt  }
0x77: {  	_ =	shalt  }
0x78: {  	_ =	shalt  }
0x79: {  	_ =	shalt  }
0x7a: {  	_ =	shalt  }
0x7b: {  	_ =	shalt  }
0x7c: {  	_ =	shalt  }
0x7d: {  	_ =	shalt  }
0x7e: {  	_ =	shalt  }
0x7f: {  	_ =	shalt  }
0x80: {  	_ =	shalt  }
0x81: {  	_ =	shalt  }
0x82: {  	_ =	shalt  }
0x83: {  	_ =	shalt  }
0x84: {  	_ =	shalt  }
0x85: {  	_ =	shalt  }
0x86: {  	_ =	shalt  }
0x87: {  	_ =	shalt  }
.Lfunc_end0:
.L_simem_size_0:
called_computation.1_lowered:
.L_overlay_start_0:
0x88: {  	s2 =	sld [smem:$0x3FD9]  }
0x89: {  	s3 =	sld [smem:$0x3FFE];
	_ =	sdelay $0x1  }
0x8a: {  	s1 =	srdreg.scid  }
0x8b: {  	s0 =	sand.u32 $0x1, s1  }
0x8c: {  	s17 =	sshll.u32 s0, $0xA;
	s2 =	sadd.s32 s3, s2  }
0x8d: {  	s2 =	sadd.s32 s2, s17  }
0x8e: {  	[smem:$0x3FC2] =	sst s2  }
0x8f: {  	_ = 	snop  }
0x90: {  	s2 =	sld [smem:$0x3FD0];
	(tm) =	ssettm $0x1  }
0x91: {  	s18 =	sld [smem:$0x3FFB];
	_ =	sdelay $0x3  }
0x92: {  	_ =	strace s18  }
0x93: {  	s3 =	sld [smem:$0x3FFC];
	_ =	sdelay $0x3  }
0x94: {  	_ =	strace s3  }
0x95: {  	s3 =	sld [smem:$0x3FFD];
	_ =	sdelay $0x3  }
0x96: {  	_ =	strace s3  }
0x97: {  	_ =	strace $0x8FFFFFFF  }
0x98: {  	s19 =	sld [smem:$0x3FDB];
	_ =	sdelay $0x1  }
0x99: {  	s4 =	simm.s32 $_scs_section_size  }
0x9a: {  	s5 =	simm.s32 $_size__tile_overlayer_lowered;
	s6 =	simm.s32 $_tile_overlayer_lowered  }
0x9b: {  	s22 =	simm.s32 $0x1BFF;
	s21 =	sshll.u32 s6, $0x1;
	s3 =	sadd.s32 s4, s19  }
0x9c: {  	s7 =	simm.s32 $0x0;
	s20 =	sshll.u32 s5, $0x1;
	s5 =	sadd.s32 s21, s3  }
0x9d: {  	[timem:s7], [sflag:s22] =	dma.local [hbm:s5], s20  }
0x9e: {  	_ =	swait.ge [sflag:s22], s20  }
0x9f: {  	s4 =	ssub.s32 $0x0, s20;
	[sflag:s22] =	ssyncset.done $0x0  }
0xa0: {  	[sflag:s22] =	ssyncadd.s32 s4;
	_ =	sdelay $0x1  }
0xa1: {  	s23 =	simm.s32 $0x1B8B  }
0xa2: {  	_ =	swait.ge [sflag:s23], $0x1  }
0xa3: {  	[sflag:s23] =	ssyncset.done $0x0  }
0xa4: {  	s25 =	simm.s32 $0x1B8E;
	s24 =	sld [smem:$0x3FFE];
	[sflag:s23] =	ssyncadd.s32 $0xFFFFFFFF  }
0xa5: {  	s26 =	simm.s32 $execute0_lowered;
	[smem:$0x3FD2] =	sst s25  }
0xa6: {  	s5 =	sshll.u32 s26, $0x1;
	_ =	strace $0x80000049;
	[dreg:$0x1] =	wrdreg $0xFFFFFFFF  }
0xa7: {  	s28 =	simm.s32 $_size_execute0_lowered;
	s3 =	sadd.s32 s3, s5;
	[dreg:$0x0] =	wrdreg $0x0  }
0xa8: {  	s5 =	sshll.u32 s28, $0x1;
	[dreg:$0x2] =	wrdreg s3  }
0xa9: {  	[dreg:$0x3] =	wrdreg s5  }
0xaa: {  	[dreg:$0x4] =	wrdreg $0xC0  }
0xab: {  	_ =	task [dreg:s7], $0x5FFFF  }
0xac: {  	[dreg:$0x1] =	wrdreg $0xFFFFFFFF  }
0xad: {  	[dreg:$0x0] =	wrdreg $0x60  }
0xae: {  	[dreg:$0x2] =	wrdreg s2  }
0xaf: {  	[dreg:$0x3] =	wrdreg s24  }
0xb0: {  	[dreg:$0x4] =	wrdreg $0x0  }
0xb1: {  	[dreg:$0x5] =	wrdreg $0x9  }
0xb2: {  	_ =	task.clear_ibuf [dreg:s7], $0x6FFFF;
	_ =	strace $0x90000049  }
0xb3: {  	s29 =	simm.s32 $0x9;
	_ =	strace $0x8000004B  }
0xb4: {  	_ =	swait.ge [sflag:s29], $0x1  }
0xb5: {  	[sflag:s29] =	ssyncadd.s32 $0xFFFFFFFF  }
0xb6: {  	_ =	strace $0x9000004B  }
0xb7: {  	_ =	sfence  }
0xb8: {  	s30 =	sld [smem:$0x0];
	_ =	sdelay $0x2  }
0xb9: {  	s31 =	sshll.u32 s1, $0xD;
	s1 =	sshrl.u32 s1, $0x2  }
0xba: {  	s3 =	sand.u32 $0x4000, s31;
	s1 =	sadd.s32 s1, s30  }
0xbb: {  	s0 =	sor.u32 s3, s0;
	s1 =	sshll.u32 s1, $0x11  }
0xbc: {  	s0 =	sor.u32 s1, s0  }
0xbd: {  	s0 =	sadd.s32 $0x8F2B, s0  }
0xbe: {  	[sflag:s0] =	ssyncadd.remote.s32 $0x1  }
0xbf: {  	_ =	sfence.sel $0xFFFF  }
0xc0: {  	[dreg:$0x0] =	wrdreg $0xFFFFFFFF;
	(pc) =	sbr.abs _section_cstart, $3  }
0xc1: {  	[dreg:$0x1] =	wrdreg $0xFFFFFFFF  }
0xc2: {  	_ =	task.clear_ibuf [dreg:s7], $0x2FFFF;
	_ =	strace $0x9FFFFFFF  }
0xc3: {  	(tm) =	ssettm $0x7FFFFFFF  }
tec
execute0_lowered:
.L_overlay_start_1:
0x0: {  	(tag) =	ssettag $0x1  }
0x1: {  	s1 =	rddreg [dreg:$0x0]  }
0x2: {  	s2 =	srdreg.scid;
	s5 =	rddreg [dreg:$0x1]  }
0x3: {  	s0 =	stileid.u32;
	s3 =	rddreg [dreg:$0x2];
	s4 =	simm.s32 $0x0  }
0x4: {  	s13 =	simm.s32 $0x4;
	s14 =	simm.s32 $0x15F90;
	s15 =	simm.s32 $0x50  }
0x5: {  	s16 =	simm.s32 $0x186A0;
	s17 =	simm.s32 $0x138D0;
	s18 =	simm.s32 $0x1AEA0  }
0x6: {  	s19 =	simm.s32 $0x13920;
	s20 =	simm.s32 $0x1D6A0;
	s21 =	simm.s32 $0x1  }
0x7: {  	s22 =	simm.s32 $0x2;
	s23 =	simm.s32 $0x3;
	s24 =	simm.s32 $0x18600  }
0x8: {  	s25 =	simm.s32 $0x18650;
	s6 =	sand.u32 $0x1, s2;
	s2 =	rddreg [dreg:$0x3]  }
0x9: {  	s26 =	simm.s32 $0x0;
	s7 =	smul.u32 $0x1F400, s0;
	[smem:$0x7FF] =	sst s4  }
0xa: {  	p0 =	sgt.u32 s0, $0x9;
	s8 =	sshll.u32 s6, $0x4;
	s9 =	smul.u32 $0x138800, s6  }
0xb: {  	_ =	strace $0x8000004A;
	s6 =	ssub.s32 $0x2, s6;
	s12 =	sshll.u32 @!p0 s0, $0x6  }
0xc: {  	s8 =	sor.u32 s0, s8;
	s30 =	sshrl.u32 s6, $0x1;
	s11 =	sadd.s32 s7, s3  }
0xd: {  	s31 =	sshrl.u32 s7, $0x3;
	s8 =	smul.u32 $0x4E2, s8;
	s9 =	sadd.s32 s7, s9  }
0xe: {  	s10 =	ssub.s32 s6, s30;
	s11 =	sshrl.u32 @!p0 s11, $0x3;
	s9 =	sshrl.u32 s9, $0x3  }
0xf: {  	s8 =	sadd.s32 s8, s5;
	s9 =	sadd.s32 s9, s5;
	s5 =	sadd.s32 s1, s31  }
0x10: {  	s6 =	sadd.s32 $0x2E00, s8;
	s7 =	sadd.s32 $0xCC00, s8;
	s8 =	sadd.s32 $0x64C00, s9  }
0x11: {  	s9 =	smax.u32 s10, $0x1;
	s10 =	sor.u32 @!p0 $0x1C04, s12;
	s12 =	simm.s32 $0x13880  }
.LBB2_1:
0x12: {  	[spmem:s11], [sflag:s10] =	dma.local @!p0 [hbm:s5], $0x3E80  }
0x13: {  	s28 =	simm.s32 @!p0 $0x4  }
0x14: {  	_ =	swait.ge @!p0 [sflag:s28], $0x3E80  }
0x15: {  	[sflag:s28] =	ssyncset.done @!p0 $0x0  }
0x16: {  	[sflag:s28] =	ssyncadd.s32 @!p0 $0xFFFFC180  }
0x17: {  	[tilespmem:s12], [sflag:$0x4] =	stream.linear.gather [hbm4b:s6+s4], $0x2710, $0x38;
	[tilespmem:$0x1FEA0] =	vst v63  }
0x18: {  	_ =	swait.ge [sflag:s13], $0x2710  }
0x19: {  	[sflag:s13] =	ssyncset.done $0x0  }
0x1a: {  	[sflag:s13] =	ssyncadd.s32 $0xFFFFD8F0  }
0x1b: {  	[tilespmem:s14], [sflag:$0x4] =	stream.linear.gather [hbm4b:s7+s4], $0x2710, $0x38;
	[tilespmem:$0x1FEA0] =	vst v63  }
0x1c: {  	_ =	swait.ge [sflag:s13], $0x2710  }
0x1d: {  	[sflag:s13] =	ssyncset.done $0x0  }
0x1e: {  	[sflag:s13] =	ssyncadd.s32 $0xFFFFD8F0  }
0x1f: {  	[bflag:$0x0] =	sbarrier.arrive $0xFFFF  }
0x20: {  	[tilespmem:s16], [sflag:$0x1] =	stream.indirect.gather [hbm4b:s1+s15], $0x80, s12, s15, $0xb8;
	[tilespmem:$0x1FEA0] =	vst v63  }
0x21: {  	_ = 	snop  }
0x22: {  	[tilespmem:s18], [sflag:$0x2] =	stream.indirect.gather [hbm4b:s1+s15], $0x80, s17, s15, $0xb8;
	[tilespmem:$0x1FEA0] =	vst v63  }
0x23: {  	_ = 	snop  }
0x24: {  	[tilespmem:s20], [sflag:$0x3] =	stream.indirect.gather [hbm4b:s1+s15], $0x80, s19, s15, $0xb8;
	[tilespmem:$0x1FEA0] =	vst v63  }
0x25: {  	_ =	swait.ge [sflag:s21], $0x2800  }
0x26: {  	[sflag:s21] =	ssyncset.done $0x0  }
0x27: {  	s28 =	simm.s32 $0x15F90;
	[sflag:s21] =	ssyncadd.s32 $0xFFFFD800  }
0x28: {  	[spmem:s3] =	stream.indirect.scatter.add.f32 [tilespmem:s16], [sflag:$0x4], $0x80, s28, s15, $0xb8;
	[tilespmem:$0x1FEA0] =	vst v63  }
0x29: {  	_ =	swait.ge [sflag:s13], $0x2800  }
0x2a: {  	[sflag:s13] =	ssyncset.done $0x0  }
0x2b: {  	s28 =	simm.s32 $0x13970;
	[sflag:s13] =	ssyncadd.s32 $0xFFFFD800  }
0x2c: {  	[tilespmem:s16], [sflag:$0x1] =	stream.indirect.gather [hbm4b:s1+s15], $0x80, s28, s15, $0xb8;
	[tilespmem:$0x1FEA0] =	vst v63  }
0x2d: {  	_ =	swait.ge [sflag:s22], $0x2800  }
0x2e: {  	[sflag:s22] =	ssyncset.done $0x0  }
0x2f: {  	s28 =	simm.s32 $0x15FE0;
	[sflag:s22] =	ssyncadd.s32 $0xFFFFD800  }
0x30: {  	[spmem:s3] =	stream.indirect.scatter.add.f32 [tilespmem:s18], [sflag:$0x4], $0x80, s28, s15, $0xb8;
	[tilespmem:$0x1FEA0] =	vst v63  }
0x31: {  	_ =	swait.ge [sflag:s13], $0x2800  }
0x32: {  	[sflag:s13] =	ssyncset.done $0x0  }
0x33: {  	s28 =	simm.s32 $0x139C0;
	[sflag:s13] =	ssyncadd.s32 $0xFFFFD800  }
0x34: {  	[tilespmem:s18], [sflag:$0x2] =	stream.indirect.gather [hbm4b:s1+s15], $0x80, s28, s15, $0xb8;
	[tilespmem:$0x1FEA0] =	vst v63  }
0x35: {  	_ =	swait.ge [sflag:s23], $0x2800  }
0x36: {  	[sflag:s23] =	ssyncset.done $0x0  }
0x37: {  	s28 =	simm.s32 $0x16030;
	[sflag:s23] =	ssyncadd.s32 $0xFFFFD800  }
0x38: {  	[spmem:s3] =	stream.indirect.scatter.add.f32 [tilespmem:s20], [sflag:$0x4], $0x80, s28, s15, $0xb8;
	[tilespmem:$0x1FEA0] =	vst v63  }
0x39: {  	_ =	swait.ge [sflag:s13], $0x2800  }
0x3a: {  	[sflag:s13] =	ssyncset.done $0x0  }
0x3b: {  	s29 =	simm.s32 $0x13A10;
	s28 =	simm.s32 $0x3C0;
	[sflag:s13] =	ssyncadd.s32 $0xFFFFD800  }
.LBB2_2:
0x3c: {  	[tilespmem:s20], [sflag:$0x3] =	stream.indirect.gather [hbm4b:s1+s15], $0x80, s29, s15, $0xb8;
	[tilespmem:$0x1FEA0] =	vst v63  }
0x3d: {  	s29 =	smov.u32 s28;
	s28 =	sadd.s32 $0x3C0, s28;
	_ =	swait.ge [sflag:s21], $0x2800  }
0x3e: {  	s29 =	sshra.s32 s29, $0x2;
	p1 =	sne.s32 s28, $0x9600;
	[sflag:s21] =	ssyncset.done $0x0  }
0x3f: {  	s30 =	sadd.s32 $0x15F90, s29;
	[sflag:s21] =	ssyncadd.s32 $0xFFFFD800  }
0x40: {  	[spmem:s3] =	stream.indirect.scatter.add.f32 [tilespmem:s16], [sflag:$0x4], $0x80, s30, s15, $0xb8;
	[tilespmem:$0x1FEA0] =	vst v63  }
0x41: {  	_ =	swait.ge [sflag:s13], $0x2800  }
0x42: {  	[sflag:s13] =	ssyncset.done $0x0  }
0x43: {  	s30 =	sadd.s32 $0x13970, s29;
	[sflag:s13] =	ssyncadd.s32 $0xFFFFD800  }
0x44: {  	[tilespmem:s16], [sflag:$0x1] =	stream.indirect.gather [hbm4b:s1+s15], $0x80, s30, s15, $0xb8;
	[tilespmem:$0x1FEA0] =	vst v63  }
0x45: {  	_ =	swait.ge [sflag:s22], $0x2800  }
0x46: {  	[sflag:s22] =	ssyncset.done $0x0  }
0x47: {  	s30 =	sadd.s32 $0x15FE0, s29;
	[sflag:s22] =	ssyncadd.s32 $0xFFFFD800  }
0x48: {  	[spmem:s3] =	stream.indirect.scatter.add.f32 [tilespmem:s18], [sflag:$0x4], $0x80, s30, s15, $0xb8;
	[tilespmem:$0x1FEA0] =	vst v63  }
0x49: {  	_ =	swait.ge [sflag:s13], $0x2800  }
0x4a: {  	[sflag:s13] =	ssyncset.done $0x0  }
0x4b: {  	s30 =	sadd.s32 $0x139C0, s29;
	[sflag:s13] =	ssyncadd.s32 $0xFFFFD800  }
0x4c: {  	[tilespmem:s18], [sflag:$0x2] =	stream.indirect.gather [hbm4b:s1+s15], $0x80, s30, s15, $0xb8;
	[tilespmem:$0x1FEA0] =	vst v63  }
0x4d: {  	_ =	swait.ge [sflag:s23], $0x2800  }
0x4e: {  	[sflag:s23] =	ssyncset.done $0x0  }
.Ltmp0:
0x4f: {  	s30 =	sadd.s32 $0x16030, s29;
	[sflag:s23] =	ssyncadd.s32 $0xFFFFD800;
	(pc) =	sbr.rel @p1 .LBB2_2-.Ltmp0, $4  }
0x50: {  	[spmem:s3] =	stream.indirect.scatter.add.f32 [tilespmem:s20], [sflag:$0x4], $0x80, s30, s15, $0xb8;
	[tilespmem:$0x1FEA0] =	vst v63  }
0x51: {  	_ =	swait.ge [sflag:s13], $0x2800  }
0x52: {  	[sflag:s13] =	ssyncset.done $0x0  }
0x53: {  	s29 =	sadd.s32 $0x13A10, s29;
	[sflag:s13] =	ssyncadd.s32 $0xFFFFD800  }
0x54: {  	[tilespmem:s20], [sflag:$0x3] =	stream.indirect.gather [hbm4b:s1+s15], $0x80, s29, s15, $0xb8;
	[tilespmem:$0x1FEA0] =	vst v63  }
0x55: {  	_ =	swait.ge [sflag:s21], $0x2800  }
0x56: {  	s28 =	sshra.s32 s28, $0x2;
	[sflag:s21] =	ssyncset.done $0x0  }
0x57: {  	s30 =	sadd.s32 $0x15F90, s28;
	[sflag:s21] =	ssyncadd.s32 $0xFFFFD800  }
0x58: {  	[spmem:s3] =	stream.indirect.scatter.add.f32 [tilespmem:s16], [sflag:$0x4], $0x80, s30, s15, $0xb8;
	[tilespmem:$0x1FEA0] =	vst v63  }
0x59: {  	_ =	swait.ge [sflag:s13], $0x2800  }
0x5a: {  	[sflag:s13] =	ssyncset.done $0x0  }
0x5b: {  	s31 =	sadd.s32 $0x13970, s28;
	[sflag:s13] =	ssyncadd.s32 $0xFFFFD800  }
0x5c: {  	[tilespmem:s16], [sflag:$0x1] =	stream.indirect.gather [hbm4b:s1+s15], $0x80, s31, s15, $0xb8;
	[tilespmem:$0x1FEA0] =	vst v63  }
0x5d: {  	_ =	swait.ge [sflag:s22], $0x2800  }
0x5e: {  	[sflag:s22] =	ssyncset.done $0x0  }
0x5f: {  	s30 =	sadd.s32 $0x15FE0, s28;
	[sflag:s22] =	ssyncadd.s32 $0xFFFFD800  }
0x60: {  	[spmem:s3] =	stream.indirect.scatter.add.f32 [tilespmem:s18], [sflag:$0x4], $0x80, s30, s15, $0xb8;
	[tilespmem:$0x1FEA0] =	vst v63  }
0x61: {  	_ =	swait.ge [sflag:s13], $0x2800  }
0x62: {  	[sflag:s13] =	ssyncset.done $0x0  }
0x63: {  	s31 =	sadd.s32 $0x139C0, s28;
	[sflag:s13] =	ssyncadd.s32 $0xFFFFD800  }
0x64: {  	[tilespmem:s18], [sflag:$0x2] =	stream.indirect.gather [hbm4b:s1+s15], $0x80, s31, s15, $0xb8;
	[tilespmem:$0x1FEA0] =	vst v63  }
0x65: {  	_ =	swait.ge [sflag:s23], $0x2800  }
0x66: {  	[sflag:s23] =	ssyncset.done $0x0  }
0x67: {  	s28 =	sadd.s32 $0x16030, s28;
	[sflag:s23] =	ssyncadd.s32 $0xFFFFD800  }
0x68: {  	[spmem:s3] =	stream.indirect.scatter.add.f32 [tilespmem:s20], [sflag:$0x4], $0x80, s28, s15, $0xb8;
	[tilespmem:$0x1FEA0] =	vst v63  }
0x69: {  	_ =	swait.ge [sflag:s13], $0x2800  }
0x6a: {  	[sflag:s13] =	ssyncset.done $0x0  }
0x6b: {  	[sflag:s13] =	ssyncadd.s32 $0xFFFFD800  }
0x6c: {  	_ =	swait.ge [sflag:s21], $0x2800  }
0x6d: {  	[sflag:s21] =	ssyncset.done $0x0  }
0x6e: {  	[sflag:s21] =	ssyncadd.s32 $0xFFFFD800  }
0x6f: {  	[spmem:s3] =	stream.indirect.scatter.add.f32 [tilespmem:s16], [sflag:$0x4], $0x80, s24, s15, $0xb8;
	[tilespmem:$0x1FEA0] =	vst v63  }
0x70: {  	_ =	swait.ge [sflag:s13], $0x2800  }
0x71: {  	[sflag:s13] =	ssyncset.done $0x0  }
0x72: {  	[sflag:s13] =	ssyncadd.s32 $0xFFFFD800  }
0x73: {  	_ =	swait.ge [sflag:s22], $0x2800  }
0x74: {  	[sflag:s22] =	ssyncset.done $0x0  }
0x75: {  	[sflag:s22] =	ssyncadd.s32 $0xFFFFD800  }
0x76: {  	[spmem:s3] =	stream.indirect.scatter.add.f32 [tilespmem:s18], [sflag:$0x4], $0x80, s25, s15, $0xb8;
	[tilespmem:$0x1FEA0] =	vst v63  }
0x77: {  	_ =	swait.ge [sflag:s13], $0x2800  }
0x78: {  	s26 =	sadd.s32 $0x1, s26;
	[sflag:s13] =	ssyncset.done $0x0  }
0x79: {  	p1 =	sne.s32 s26, s9;
	[sflag:s13] =	ssyncadd.s32 $0xFFFFD800  }
.Ltmp1:
0x7a: {  	s28 =	simm.s32 @!p0 $0x4;
	[bflag:$0x0] =	sbarrier.arrive $0xFFFF;
	(pc) =	sbr.rel @p1 .LBB2_1-.Ltmp1, $4  }
0x7b: {  	[hbm:s8], [sflag:s10] =	dma.local @!p0 [spmem:s11], $0x3E80  }
0x7c: {  	_ =	swait.ge @!p0 [sflag:s28], $0x3E80  }
0x7d: {  	[sflag:s28] =	ssyncset.done @!p0 $0x0  }
0x7e: {  	[sflag:s28] =	ssyncadd.s32 @!p0 $0xFFFFC180  }
0x7f: {  	_ =	sfence.sel $0x180000  }
0x80: {  	[bflag:$0x0] =	sbarrier.arrive $0xFFFF  }
0x81: {  	p0 =	sne.s32 s0, $0x0;
	_ =	strace $0x9000004A  }
0x82: {  	s0 =	sadd.s32 @!p0 $0x100000, s2;
	[bflag:$0x2] =	sbarrier.arrive $0xFFFF  }
0x83: {  	[sflag:s0] =	ssyncadd.tile.s32 @!p0 $0x1;
	_ =	shalt  }
.Lfunc_end2:
_tile_overlayer_lowered:
.L_overlay_start_2:
0x84: {  	(tag) =	ssettag $0x2  }
0x85: {  	s0 =	rddreg [dreg:$0x0];
	s2 =	stileid.u32  }
0x86: {  	s1 =	rddreg [dreg:$0x1];
	p0 =	sne.s32 s2, $0x0  }
0x87: {  	s3 =	rddreg [dreg:$0x2];
	[bflag:$0x3] =	sbarrier.arrive $0xFFFF;
	s2 =	simm.s32 @!p0 $0x1C04  }
0x88: {  	[timem:s3], [sflag:s2] =	dma.local @!p0 [hbm:s0], s1  }
0x89: {  	s0 =	simm.s32 @!p0 $0x4  }
0x8a: {  	_ =	swait.ge @!p0 [sflag:s0], s1  }
0x8b: {  	s1 =	ssub.s32 @!p0 $0x0, s1;
	[sflag:s0] =	ssyncset.done @!p0 $0x0  }
0x8c: {  	[sflag:s0] =	ssyncadd.s32 @!p0 s1  }
0x8d: {  	[bflag:$0x3] =	sbarrier.arrive $0xFFFF  }
0x8e: {  	_ =	shalt  }

// kernel: kernel.15.cloned.1.call-start
scs
__scs_entry_jumppad:
0x0: {  	(pc) =	sbr.rel $0x88, $3  }
0x1: {  	(tag) =	ssettag $0x0;
	lr =	simm.s32 $0x1  }
0x2: {  	[smem:$0x3F9B] =	sst lr;
	_ =	strace $0xD0000000  }
0x3: {  	_ = 	snop  }
0x4: {  	_ = 	snop  }
0x5: {  	_ = 	snop  }
0x6: {  	_ = 	snop  }
0x7: {  	_ = 	snop  }
__scs_overlays_trampoline_lowered:
0x8: {  	[smem:$0x3FAA] =	sst s0  }
0x9: {  	[smem:$0x3FAB] =	sst s1  }
0xa: {  	[smem:$0x3FAC] =	sst s2  }
0xb: {  	[smem:$0x3FAD] =	sst s3  }
0xc: {  	[smem:$0x3FAE] =	sst s4  }
0xd: {  	[smem:$0x3FAF] =	sst s5  }
0xe: {  	[smem:$0x3FB0] =	sst s6  }
0xf: {  	[smem:$0x3FB1] =	sst s7  }
0x10: {  	[smem:$0x3FB2] =	sst s8  }
0x11: {  	[smem:$0x3FB3] =	sst s9;
	s0 =	simm.s32 @!p0 $0x0  }
0x12: {  	s1 =	sld [smem:$0x3F99];
	s0 =	simm.s32 @p0 $0x1  }
0x13: {  	[smem:$0x3FB4] =	sst s0;
	s0 =	simm.s32 @!p1 $0x0  }
0x14: {  	s2 =	sld [smem:$0x3F98];
	s0 =	simm.s32 @p1 $0x1  }
0x15: {  	[smem:$0x3FB5] =	sst s0;
	s0 =	simm.s32 @!p2 $0x0  }
0x16: {  	s3 =	sld [smem:$0x3FDB];
	s0 =	simm.s32 @p2 $0x1  }
0x17: {  	s4 =	simm.s32 $0x1BF5;
	[smem:$0x3FB7] =	sst s0  }
0x18: {  	s0 =	sld [smem:$0x3F9A];
	_ =	swait.ge [sflag:s4], $0x0  }
0x19: {  	s7 =	sld [smem:$0x3F9B]  }
0x1a: {  	s8 =	sadd.s32 $0xFFFFE003, lr  }
0x1b: {  	s9 =	sadd.s32 $0xFFFFFEF7, lr;
	s5 =	simm.s32 $0xFFFFFFFF;
	p2 =	slt.u32 s8, $0xFFFFF086  }
0x1c: {  	p1 =	slt.u32 s9, $0xF7A;
	s5 =	simm.s32 @!p2 $0x0  }
0x1d: {  	s5 =	simm.s32 @p1 $0x1;
	p0 =	seq.s32 s7, s2  }
0x1e: {  	s7 =	smul.u32 @!p0 $0xF7A, s2;
	p2 =	seq.s32 @!p0 s5, $0x0  }
0x1f: {  	s9 =	smul.u32 $0xF7A, s1;
	s8 =	simm.s32 @!p0 $0x1BF5;
	p2 =	por !p2, p0  }
0x20: {  	[sflag:s8] =	ssyncset.s32 @!p0 $0xFFFFF086;
	s6 =	sadd.s32 @!p0 s3, s7;
	s7 =	simm.s32 @!p0 $0x108  }
0x21: {  	s3 =	sadd.s32 s3, s9;
	s6 =	sadd.s32 @!p0 $0x88, s6;
	s7 =	simm.s32 @p2 $0x1082  }
0x22: {  	[simem:s7], [sflag:s8] =	dma.local @!p0 [hbm:s6], $0xF7A  }
0x23: {  	s9 =	sor.u32 $0xD0000000, s2;
	s6 =	simm.s32 $0x108;
	_ =	swait.ge @!p0 [sflag:s8], $0x0  }
0x24: {  	s3 =	sadd.s32 $0x88, s3;
	s6 =	simm.s32 @!p1 $0x1082;
	[sflag:s4] =	ssyncset.s32 $0xFFFFF086  }
0x25: {  	[simem:s6], [sflag:s4] =	dma.local [hbm:s3], $0xF7A  }
0x26: {  	[smem:$0x3F9B] =	sst s1;
	(tag) =	ssettag s2;
	_ =	strace s9  }
0x27: {  	s1 =	sld [smem:$0x3FAB]  }
0x28: {  	s2 =	sld [smem:$0x3FAC]  }
0x29: {  	s4 =	sld [smem:$0x3FAE]  }
0x2a: {  	p0 =	seq.s32 s5, $0x0;
	s5 =	sld [smem:$0x3FAF]  }
0x2b: {  	s6 =	sld [smem:$0x3FB0]  }
0x2c: {  	s7 =	sld [smem:$0x3FB1]  }
0x2d: {  	s3 =	simm.s32 $0x108;
	s8 =	sld [smem:$0x3FB2]  }
0x2e: {  	s3 =	simm.s32 @!p0 $0x1082;
	s9 =	sld [smem:$0x3FB3]  }
0x2f: {  	lr =	sadd.s32 s0, s3;
	s0 =	sld [smem:$0x3FAA]  }
0x30: {  	s3 =	sld [smem:$0x3FAD]  }
0x31: {  	[smem:$0x3FB6] =	sst s10  }
0x32: {  	s10 =	sld [smem:$0x3FB4];
	_ =	sdelay $0x3  }
0x33: {  	p0 =	seq.s32 s10, $0x1;
	s10 =	sld [smem:$0x3FB6];
	_ =	sdelay $0x3  }
0x34: {  	[smem:$0x3FB6] =	sst s10  }
0x35: {  	s10 =	sld [smem:$0x3FB5];
	_ =	sdelay $0x3  }
0x36: {  	p1 =	seq.s32 s10, $0x1;
	s10 =	sld [smem:$0x3FB6];
	_ =	sdelay $0x3  }
0x37: {  	[smem:$0x3FB6] =	sst s10  }
0x38: {  	s10 =	sld [smem:$0x3FB7]  }
0x39: {  	_ = 	snop;
	(pc) =	sbr.ind lr, $3  }
0x3a: {  	_ = 	snop  }
0x3b: {  	_ = 	snop  }
0x3c: {  	p2 =	seq.s32 s10, $0x1;
	s10 =	sld [smem:$0x3FB6]  }
0x3d: {  	_ =	shalt  }
0x3e: {  	_ =	shalt  }
0x3f: {  	_ =	shalt  }
0x40: {  	_ =	shalt  }
0x41: {  	_ =	shalt  }
0x42: {  	_ =	shalt  }
0x43: {  	_ =	shalt  }
0x44: {  	_ =	shalt  }
0x45: {  	_ =	shalt  }
0x46: {  	_ =	shalt  }
0x47: {  	_ =	shalt  }
0x48: {  	_ =	shalt  }
0x49: {  	_ =	shalt  }
0x4a: {  	_ =	shalt  }
0x4b: {  	_ =	shalt  }
0x4c: {  	_ =	shalt  }
0x4d: {  	_ =	shalt  }
0x4e: {  	_ =	shalt  }
0x4f: {  	_ =	shalt  }
0x50: {  	_ =	shalt  }
0x51: {  	_ =	shalt  }
0x52: {  	_ =	shalt  }
0x53: {  	_ =	shalt  }
0x54: {  	_ =	shalt  }
0x55: {  	_ =	shalt  }
0x56: {  	_ =	shalt  }
0x57: {  	_ =	shalt  }
0x58: {  	_ =	shalt  }
0x59: {  	_ =	shalt  }
0x5a: {  	_ =	shalt  }
0x5b: {  	_ =	shalt  }
0x5c: {  	_ =	shalt  }
0x5d: {  	_ =	shalt  }
0x5e: {  	_ =	shalt  }
0x5f: {  	_ =	shalt  }
0x60: {  	_ =	shalt  }
0x61: {  	_ =	shalt  }
0x62: {  	_ =	shalt  }
0x63: {  	_ =	shalt  }
0x64: {  	_ =	shalt  }
0x65: {  	_ =	shalt  }
0x66: {  	_ =	shalt  }
0x67: {  	_ =	shalt  }
0x68: {  	_ =	shalt  }
0x69: {  	_ =	shalt  }
0x6a: {  	_ =	shalt  }
0x6b: {  	_ =	shalt  }
0x6c: {  	_ =	shalt  }
0x6d: {  	_ =	shalt  }
0x6e: {  	_ =	shalt  }
0x6f: {  	_ =	shalt  }
0x70: {  	_ =	shalt  }
0x71: {  	_ =	shalt  }
0x72: {  	_ =	shalt  }
0x73: {  	_ =	shalt  }
0x74: {  	_ =	shalt  }
0x75: {  	_ =	shalt  }
0x76: {  	_ =	shalt  }
0x77: {  	_ =	shalt  }
0x78: {  	_ =	shalt  }
0x79: {  	_ =	shalt  }
0x7a: {  	_ =	shalt  }
0x7b: {  	_ =	shalt  }
0x7c: {  	_ =	shalt  }
0x7d: {  	_ =	shalt  }
0x7e: {  	_ =	shalt  }
0x7f: {  	_ =	shalt  }
0x80: {  	_ =	shalt  }
0x81: {  	_ =	shalt  }
0x82: {  	_ =	shalt  }
0x83: {  	_ =	shalt  }
0x84: {  	_ =	shalt  }
0x85: {  	_ =	shalt  }
0x86: {  	_ =	shalt  }
0x87: {  	_ =	shalt  }
.Lfunc_end0:
.L_simem_size_0:
called_computation.2_lowered:
.L_overlay_start_0:
0x88: {  	s2 =	sld [smem:$0x3FD9]  }
0x89: {  	s3 =	sld [smem:$0x3FFE];
	_ =	sdelay $0x1  }
0x8a: {  	s1 =	srdreg.scid  }
0x8b: {  	s0 =	sand.u32 $0x1, s1  }
0x8c: {  	s17 =	sshll.u32 s0, $0xA;
	s2 =	sadd.s32 s3, s2  }
0x8d: {  	s2 =	sadd.s32 s2, s17  }
0x8e: {  	[smem:$0x3FC2] =	sst s2  }
0x8f: {  	_ = 	snop  }
0x90: {  	s2 =	sld [smem:$0x3FD0];
	(tm) =	ssettm $0x1  }
0x91: {  	s18 =	sld [smem:$0x3FFB];
	_ =	sdelay $0x3  }
0x92: {  	_ =	strace s18  }
0x93: {  	s3 =	sld [smem:$0x3FFC];
	_ =	sdelay $0x3  }
0x94: {  	_ =	strace s3  }
0x95: {  	s3 =	sld [smem:$0x3FFD];
	_ =	sdelay $0x3  }
0x96: {  	_ =	strace s3  }
0x97: {  	_ =	strace $0x8FFFFFFF  }
0x98: {  	s19 =	sld [smem:$0x3FDB];
	_ =	sdelay $0x1  }
0x99: {  	s4 =	simm.s32 $_scs_section_size  }
0x9a: {  	s5 =	simm.s32 $_size__tile_overlayer_lowered;
	s6 =	simm.s32 $_tile_overlayer_lowered  }
0x9b: {  	s22 =	simm.s32 $0x1BFF;
	s21 =	sshll.u32 s6, $0x1;
	s3 =	sadd.s32 s4, s19  }
0x9c: {  	s7 =	simm.s32 $0x0;
	s20 =	sshll.u32 s5, $0x1;
	s5 =	sadd.s32 s21, s3  }
0x9d: {  	[timem:s7], [sflag:s22] =	dma.local [hbm:s5], s20  }
0x9e: {  	_ =	swait.ge [sflag:s22], s20  }
0x9f: {  	s4 =	ssub.s32 $0x0, s20;
	[sflag:s22] =	ssyncset.done $0x0  }
0xa0: {  	[sflag:s22] =	ssyncadd.s32 s4;
	_ =	sdelay $0x1  }
0xa1: {  	s23 =	simm.s32 $0x1B8B  }
0xa2: {  	_ =	swait.ge [sflag:s23], $0x1  }
0xa3: {  	[sflag:s23] =	ssyncset.done $0x0  }
0xa4: {  	s25 =	simm.s32 $0x1B8E;
	s24 =	sld [smem:$0x3FFE];
	[sflag:s23] =	ssyncadd.s32 $0xFFFFFFFF  }
0xa5: {  	s26 =	simm.s32 $execute0_lowered;
	[smem:$0x3FD2] =	sst s25  }
0xa6: {  	s5 =	sshll.u32 s26, $0x1;
	_ =	strace $0x8000004C;
	[dreg:$0x1] =	wrdreg $0xFFFFFFFF  }
0xa7: {  	s28 =	simm.s32 $_size_execute0_lowered;
	s3 =	sadd.s32 s3, s5;
	[dreg:$0x0] =	wrdreg $0x0  }
0xa8: {  	s5 =	sshll.u32 s28, $0x1;
	[dreg:$0x2] =	wrdreg s3  }
0xa9: {  	[dreg:$0x3] =	wrdreg s5  }
0xaa: {  	[dreg:$0x4] =	wrdreg $0xC0  }
0xab: {  	_ =	task [dreg:s7], $0x5FFFF  }
0xac: {  	[dreg:$0x1] =	wrdreg $0xFFFFFFFF  }
0xad: {  	[dreg:$0x0] =	wrdreg $0x60  }
0xae: {  	[dreg:$0x2] =	wrdreg s2  }
0xaf: {  	[dreg:$0x3] =	wrdreg s24  }
0xb0: {  	[dreg:$0x4] =	wrdreg $0x0  }
0xb1: {  	[dreg:$0x5] =	wrdreg $0x9  }
0xb2: {  	_ =	task.clear_ibuf [dreg:s7], $0x6FFFF;
	_ =	strace $0x9000004C  }
0xb3: {  	s29 =	simm.s32 $0x9;
	_ =	strace $0x8000004E  }
0xb4: {  	_ =	swait.ge [sflag:s29], $0x1  }
0xb5: {  	[sflag:s29] =	ssyncadd.s32 $0xFFFFFFFF  }
0xb6: {  	_ =	strace $0x9000004E  }
0xb7: {  	_ =	sfence  }
0xb8: {  	s30 =	sld [smem:$0x0];
	_ =	sdelay $0x2  }
0xb9: {  	s31 =	sshll.u32 s1, $0xD;
	s1 =	sshrl.u32 s1, $0x2  }
0xba: {  	s3 =	sand.u32 $0x4000, s31;
	s1 =	sadd.s32 s1, s30  }
0xbb: {  	s0 =	sor.u32 s3, s0;
	s1 =	sshll.u32 s1, $0x11  }
0xbc: {  	s0 =	sor.u32 s1, s0  }
0xbd: {  	s0 =	sadd.s32 $0x8F2B, s0  }
0xbe: {  	[sflag:s0] =	ssyncadd.remote.s32 $0x1  }
0xbf: {  	_ =	sfence.sel $0xFFFF  }
0xc0: {  	[dreg:$0x0] =	wrdreg $0xFFFFFFFF;
	(pc) =	sbr.abs _section_cstart, $3  }
0xc1: {  	[dreg:$0x1] =	wrdreg $0xFFFFFFFF  }
0xc2: {  	_ =	task.clear_ibuf [dreg:s7], $0x2FFFF;
	_ =	strace $0x9FFFFFFF  }
0xc3: {  	(tm) =	ssettm $0x7FFFFFFF  }
tec
execute0_lowered:
.L_overlay_start_1:
0x0: {  	(tag) =	ssettag $0x1  }
0x1: {  	s1 =	rddreg [dreg:$0x0]  }
0x2: {  	s2 =	srdreg.scid;
	s5 =	rddreg [dreg:$0x1]  }
0x3: {  	s0 =	stileid.u32;
	s3 =	rddreg [dreg:$0x2];
	s4 =	simm.s32 $0x0  }
0x4: {  	s13 =	simm.s32 $0x4;
	s14 =	simm.s32 $0x15F90;
	s15 =	simm.s32 $0x50  }
0x5: {  	s16 =	simm.s32 $0x186A0;
	s17 =	simm.s32 $0x138D0;
	s18 =	simm.s32 $0x1AEA0  }
0x6: {  	s19 =	simm.s32 $0x13920;
	s20 =	simm.s32 $0x1D6A0;
	s21 =	simm.s32 $0x1  }
0x7: {  	s22 =	simm.s32 $0x2;
	s23 =	simm.s32 $0x3;
	s24 =	simm.s32 $0x18600  }
0x8: {  	s25 =	simm.s32 $0x18650;
	s6 =	sand.u32 $0x1, s2;
	s2 =	rddreg [dreg:$0x3]  }
0x9: {  	s26 =	simm.s32 $0x0;
	s7 =	smul.u32 $0x1F400, s0;
	[smem:$0x7FF] =	sst s4  }
0xa: {  	p0 =	sgt.u32 s0, $0x9;
	s8 =	sshll.u32 s6, $0x4;
	s9 =	smul.u32 $0x138800, s6  }
0xb: {  	_ =	strace $0x8000004D;
	s6 =	ssub.s32 $0x2, s6;
	s12 =	sshll.u32 @!p0 s0, $0x6  }
0xc: {  	s8 =	sor.u32 s0, s8;
	s30 =	sshrl.u32 s6, $0x1;
	s11 =	sadd.s32 s7, s3  }
0xd: {  	s31 =	sshrl.u32 s7, $0x3;
	s8 =	smul.u32 $0x4E2, s8;
	s9 =	sadd.s32 s7, s9  }
0xe: {  	s10 =	ssub.s32 s6, s30;
	s11 =	sshrl.u32 @!p0 s11, $0x3;
	s9 =	sshrl.u32 s9, $0x3  }
0xf: {  	s8 =	sadd.s32 s8, s5;
	s9 =	sadd.s32 s9, s5;
	s5 =	sadd.s32 s1, s31  }
0x10: {  	s6 =	sadd.s32 $0x2E00, s8;
	s7 =	sadd.s32 $0xCC00, s8;
	s8 =	sadd.s32 $0x64C00, s9  }
0x11: {  	s9 =	smax.u32 s10, $0x1;
	s10 =	sor.u32 @!p0 $0x1C04, s12;
	s12 =	simm.s32 $0x13880  }
.LBB2_1:
0x12: {  	[spmem:s11], [sflag:s10] =	dma.local @!p0 [hbm:s5], $0x3E80  }
0x13: {  	s28 =	simm.s32 @!p0 $0x4  }
0x14: {  	_ =	swait.ge @!p0 [sflag:s28], $0x3E80  }
0x15: {  	[sflag:s28] =	ssyncset.done @!p0 $0x0  }
0x16: {  	[sflag:s28] =	ssyncadd.s32 @!p0 $0xFFFFC180  }
0x17: {  	[tilespmem:s12], [sflag:$0x4] =	stream.linear.gather [hbm4b:s6+s4], $0x2710, $0x38;
	[tilespmem:$0x1FEA0] =	vst v63  }
0x18: {  	_ =	swait.ge [sflag:s13], $0x2710  }
0x19: {  	[sflag:s13] =	ssyncset.done $0x0  }
0x1a: {  	[sflag:s13] =	ssyncadd.s32 $0xFFFFD8F0  }
0x1b: {  	[tilespmem:s14], [sflag:$0x4] =	stream.linear.gather [hbm4b:s7+s4], $0x2710, $0x38;
	[tilespmem:$0x1FEA0] =	vst v63  }
0x1c: {  	_ =	swait.ge [sflag:s13], $0x2710  }
0x1d: {  	[sflag:s13] =	ssyncset.done $0x0  }
0x1e: {  	[sflag:s13] =	ssyncadd.s32 $0xFFFFD8F0  }
0x1f: {  	[bflag:$0x0] =	sbarrier.arrive $0xFFFF  }
0x20: {  	[tilespmem:s16], [sflag:$0x1] =	stream.indirect.gather [hbm4b:s1+s15], $0x80, s12, s15, $0xb8;
	[tilespmem:$0x1FEA0] =	vst v63  }
0x21: {  	_ = 	snop  }
0x22: {  	[tilespmem:s18], [sflag:$0x2] =	stream.indirect.gather [hbm4b:s1+s15], $0x80, s17, s15, $0xb8;
	[tilespmem:$0x1FEA0] =	vst v63  }
0x23: {  	_ = 	snop  }
0x24: {  	[tilespmem:s20], [sflag:$0x3] =	stream.indirect.gather [hbm4b:s1+s15], $0x80, s19, s15, $0xb8;
	[tilespmem:$0x1FEA0] =	vst v63  }
0x25: {  	_ =	swait.ge [sflag:s21], $0x2800  }
0x26: {  	[sflag:s21] =	ssyncset.done $0x0  }
0x27: {  	s28 =	simm.s32 $0x15F90;
	[sflag:s21] =	ssyncadd.s32 $0xFFFFD800  }
0x28: {  	[spmem:s3] =	stream.indirect.scatter.add.f32 [tilespmem:s16], [sflag:$0x4], $0x80, s28, s15, $0xb8;
	[tilespmem:$0x1FEA0] =	vst v63  }
0x29: {  	_ =	swait.ge [sflag:s13], $0x2800  }
0x2a: {  	[sflag:s13] =	ssyncset.done $0x0  }
0x2b: {  	s28 =	simm.s32 $0x13970;
	[sflag:s13] =	ssyncadd.s32 $0xFFFFD800  }
0x2c: {  	[tilespmem:s16], [sflag:$0x1] =	stream.indirect.gather [hbm4b:s1+s15], $0x80, s28, s15, $0xb8;
	[tilespmem:$0x1FEA0] =	vst v63  }
0x2d: {  	_ =	swait.ge [sflag:s22], $0x2800  }
0x2e: {  	[sflag:s22] =	ssyncset.done $0x0  }
0x2f: {  	s28 =	simm.s32 $0x15FE0;
	[sflag:s22] =	ssyncadd.s32 $0xFFFFD800  }
0x30: {  	[spmem:s3] =	stream.indirect.scatter.add.f32 [tilespmem:s18], [sflag:$0x4], $0x80, s28, s15, $0xb8;
	[tilespmem:$0x1FEA0] =	vst v63  }
0x31: {  	_ =	swait.ge [sflag:s13], $0x2800  }
0x32: {  	[sflag:s13] =	ssyncset.done $0x0  }
0x33: {  	s28 =	simm.s32 $0x139C0;
	[sflag:s13] =	ssyncadd.s32 $0xFFFFD800  }
0x34: {  	[tilespmem:s18], [sflag:$0x2] =	stream.indirect.gather [hbm4b:s1+s15], $0x80, s28, s15, $0xb8;
	[tilespmem:$0x1FEA0] =	vst v63  }
0x35: {  	_ =	swait.ge [sflag:s23], $0x2800  }
0x36: {  	[sflag:s23] =	ssyncset.done $0x0  }
0x37: {  	s28 =	simm.s32 $0x16030;
	[sflag:s23] =	ssyncadd.s32 $0xFFFFD800  }
0x38: {  	[spmem:s3] =	stream.indirect.scatter.add.f32 [tilespmem:s20], [sflag:$0x4], $0x80, s28, s15, $0xb8;
	[tilespmem:$0x1FEA0] =	vst v63  }
0x39: {  	_ =	swait.ge [sflag:s13], $0x2800  }
0x3a: {  	[sflag:s13] =	ssyncset.done $0x0  }
0x3b: {  	s29 =	simm.s32 $0x13A10;
	s28 =	simm.s32 $0x3C0;
	[sflag:s13] =	ssyncadd.s32 $0xFFFFD800  }
.LBB2_2:
0x3c: {  	[tilespmem:s20], [sflag:$0x3] =	stream.indirect.gather [hbm4b:s1+s15], $0x80, s29, s15, $0xb8;
	[tilespmem:$0x1FEA0] =	vst v63  }
0x3d: {  	s29 =	smov.u32 s28;
	s28 =	sadd.s32 $0x3C0, s28;
	_ =	swait.ge [sflag:s21], $0x2800  }
0x3e: {  	s29 =	sshra.s32 s29, $0x2;
	p1 =	sne.s32 s28, $0x9600;
	[sflag:s21] =	ssyncset.done $0x0  }
0x3f: {  	s30 =	sadd.s32 $0x15F90, s29;
	[sflag:s21] =	ssyncadd.s32 $0xFFFFD800  }
0x40: {  	[spmem:s3] =	stream.indirect.scatter.add.f32 [tilespmem:s16], [sflag:$0x4], $0x80, s30, s15, $0xb8;
	[tilespmem:$0x1FEA0] =	vst v63  }
0x41: {  	_ =	swait.ge [sflag:s13], $0x2800  }
0x42: {  	[sflag:s13] =	ssyncset.done $0x0  }
0x43: {  	s30 =	sadd.s32 $0x13970, s29;
	[sflag:s13] =	ssyncadd.s32 $0xFFFFD800  }
0x44: {  	[tilespmem:s16], [sflag:$0x1] =	stream.indirect.gather [hbm4b:s1+s15], $0x80, s30, s15, $0xb8;
	[tilespmem:$0x1FEA0] =	vst v63  }
0x45: {  	_ =	swait.ge [sflag:s22], $0x2800  }
0x46: {  	[sflag:s22] =	ssyncset.done $0x0  }
0x47: {  	s30 =	sadd.s32 $0x15FE0, s29;
	[sflag:s22] =	ssyncadd.s32 $0xFFFFD800  }
0x48: {  	[spmem:s3] =	stream.indirect.scatter.add.f32 [tilespmem:s18], [sflag:$0x4], $0x80, s30, s15, $0xb8;
	[tilespmem:$0x1FEA0] =	vst v63  }
0x49: {  	_ =	swait.ge [sflag:s13], $0x2800  }
0x4a: {  	[sflag:s13] =	ssyncset.done $0x0  }
0x4b: {  	s30 =	sadd.s32 $0x139C0, s29;
	[sflag:s13] =	ssyncadd.s32 $0xFFFFD800  }
0x4c: {  	[tilespmem:s18], [sflag:$0x2] =	stream.indirect.gather [hbm4b:s1+s15], $0x80, s30, s15, $0xb8;
	[tilespmem:$0x1FEA0] =	vst v63  }
0x4d: {  	_ =	swait.ge [sflag:s23], $0x2800  }
0x4e: {  	[sflag:s23] =	ssyncset.done $0x0  }
.Ltmp0:
0x4f: {  	s30 =	sadd.s32 $0x16030, s29;
	[sflag:s23] =	ssyncadd.s32 $0xFFFFD800;
	(pc) =	sbr.rel @p1 .LBB2_2-.Ltmp0, $4  }
0x50: {  	[spmem:s3] =	stream.indirect.scatter.add.f32 [tilespmem:s20], [sflag:$0x4], $0x80, s30, s15, $0xb8;
	[tilespmem:$0x1FEA0] =	vst v63  }
0x51: {  	_ =	swait.ge [sflag:s13], $0x2800  }
0x52: {  	[sflag:s13] =	ssyncset.done $0x0  }
0x53: {  	s29 =	sadd.s32 $0x13A10, s29;
	[sflag:s13] =	ssyncadd.s32 $0xFFFFD800  }
0x54: {  	[tilespmem:s20], [sflag:$0x3] =	stream.indirect.gather [hbm4b:s1+s15], $0x80, s29, s15, $0xb8;
	[tilespmem:$0x1FEA0] =	vst v63  }
0x55: {  	_ =	swait.ge [sflag:s21], $0x2800  }
0x56: {  	s28 =	sshra.s32 s28, $0x2;
	[sflag:s21] =	ssyncset.done $0x0  }
0x57: {  	s30 =	sadd.s32 $0x15F90, s28;
	[sflag:s21] =	ssyncadd.s32 $0xFFFFD800  }
0x58: {  	[spmem:s3] =	stream.indirect.scatter.add.f32 [tilespmem:s16], [sflag:$0x4], $0x80, s30, s15, $0xb8;
	[tilespmem:$0x1FEA0] =	vst v63  }
0x59: {  	_ =	swait.ge [sflag:s13], $0x2800  }
0x5a: {  	[sflag:s13] =	ssyncset.done $0x0  }
0x5b: {  	s31 =	sadd.s32 $0x13970, s28;
	[sflag:s13] =	ssyncadd.s32 $0xFFFFD800  }
0x5c: {  	[tilespmem:s16], [sflag:$0x1] =	stream.indirect.gather [hbm4b:s1+s15], $0x80, s31, s15, $0xb8;
	[tilespmem:$0x1FEA0] =	vst v63  }
0x5d: {  	_ =	swait.ge [sflag:s22], $0x2800  }
0x5e: {  	[sflag:s22] =	ssyncset.done $0x0  }
0x5f: {  	s30 =	sadd.s32 $0x15FE0, s28;
	[sflag:s22] =	ssyncadd.s32 $0xFFFFD800  }
0x60: {  	[spmem:s3] =	stream.indirect.scatter.add.f32 [tilespmem:s18], [sflag:$0x4], $0x80, s30, s15, $0xb8;
	[tilespmem:$0x1FEA0] =	vst v63  }
0x61: {  	_ =	swait.ge [sflag:s13], $0x2800  }
0x62: {  	[sflag:s13] =	ssyncset.done $0x0  }
0x63: {  	s31 =	sadd.s32 $0x139C0, s28;
	[sflag:s13] =	ssyncadd.s32 $0xFFFFD800  }
0x64: {  	[tilespmem:s18], [sflag:$0x2] =	stream.indirect.gather [hbm4b:s1+s15], $0x80, s31, s15, $0xb8;
	[tilespmem:$0x1FEA0] =	vst v63  }
0x65: {  	_ =	swait.ge [sflag:s23], $0x2800  }
0x66: {  	[sflag:s23] =	ssyncset.done $0x0  }
0x67: {  	s28 =	sadd.s32 $0x16030, s28;
	[sflag:s23] =	ssyncadd.s32 $0xFFFFD800  }
0x68: {  	[spmem:s3] =	stream.indirect.scatter.add.f32 [tilespmem:s20], [sflag:$0x4], $0x80, s28, s15, $0xb8;
	[tilespmem:$0x1FEA0] =	vst v63  }
0x69: {  	_ =	swait.ge [sflag:s13], $0x2800  }
0x6a: {  	[sflag:s13] =	ssyncset.done $0x0  }
0x6b: {  	[sflag:s13] =	ssyncadd.s32 $0xFFFFD800  }
0x6c: {  	_ =	swait.ge [sflag:s21], $0x2800  }
0x6d: {  	[sflag:s21] =	ssyncset.done $0x0  }
0x6e: {  	[sflag:s21] =	ssyncadd.s32 $0xFFFFD800  }
0x6f: {  	[spmem:s3] =	stream.indirect.scatter.add.f32 [tilespmem:s16], [sflag:$0x4], $0x80, s24, s15, $0xb8;
	[tilespmem:$0x1FEA0] =	vst v63  }
0x70: {  	_ =	swait.ge [sflag:s13], $0x2800  }
0x71: {  	[sflag:s13] =	ssyncset.done $0x0  }
0x72: {  	[sflag:s13] =	ssyncadd.s32 $0xFFFFD800  }
0x73: {  	_ =	swait.ge [sflag:s22], $0x2800  }
0x74: {  	[sflag:s22] =	ssyncset.done $0x0  }
0x75: {  	[sflag:s22] =	ssyncadd.s32 $0xFFFFD800  }
0x76: {  	[spmem:s3] =	stream.indirect.scatter.add.f32 [tilespmem:s18], [sflag:$0x4], $0x80, s25, s15, $0xb8;
	[tilespmem:$0x1FEA0] =	vst v63  }
0x77: {  	_ =	swait.ge [sflag:s13], $0x2800  }
0x78: {  	s26 =	sadd.s32 $0x1, s26;
	[sflag:s13] =	ssyncset.done $0x0  }
0x79: {  	p1 =	sne.s32 s26, s9;
	[sflag:s13] =	ssyncadd.s32 $0xFFFFD800  }
.Ltmp1:
0x7a: {  	s28 =	simm.s32 @!p0 $0x4;
	[bflag:$0x0] =	sbarrier.arrive $0xFFFF;
	(pc) =	sbr.rel @p1 .LBB2_1-.Ltmp1, $4  }
0x7b: {  	[hbm:s8], [sflag:s10] =	dma.local @!p0 [spmem:s11], $0x3E80  }
0x7c: {  	_ =	swait.ge @!p0 [sflag:s28], $0x3E80  }
0x7d: {  	[sflag:s28] =	ssyncset.done @!p0 $0x0  }
0x7e: {  	[sflag:s28] =	ssyncadd.s32 @!p0 $0xFFFFC180  }
0x7f: {  	_ =	sfence.sel $0x180000  }
0x80: {  	[bflag:$0x0] =	sbarrier.arrive $0xFFFF  }
0x81: {  	p0 =	sne.s32 s0, $0x0;
	_ =	strace $0x9000004D  }
0x82: {  	s0 =	sadd.s32 @!p0 $0x100000, s2;
	[bflag:$0x2] =	sbarrier.arrive $0xFFFF  }
0x83: {  	[sflag:s0] =	ssyncadd.tile.s32 @!p0 $0x1;
	_ =	shalt  }
.Lfunc_end2:
_tile_overlayer_lowered:
.L_overlay_start_2:
0x84: {  	(tag) =	ssettag $0x2  }
0x85: {  	s0 =	rddreg [dreg:$0x0];
	s2 =	stileid.u32  }
0x86: {  	s1 =	rddreg [dreg:$0x1];
	p0 =	sne.s32 s2, $0x0  }
0x87: {  	s3 =	rddreg [dreg:$0x2];
	[bflag:$0x3] =	sbarrier.arrive $0xFFFF;
	s2 =	simm.s32 @!p0 $0x1C04  }
0x88: {  	[timem:s3], [sflag:s2] =	dma.local @!p0 [hbm:s0], s1  }
0x89: {  	s0 =	simm.s32 @!p0 $0x4  }
0x8a: {  	_ =	swait.ge @!p0 [sflag:s0], s1  }
0x8b: {  	s1 =	ssub.s32 @!p0 $0x0, s1;
	[sflag:s0] =	ssyncset.done @!p0 $0x0  }
0x8c: {  	[sflag:s0] =	ssyncadd.s32 @!p0 s1  }
0x8d: {  	[bflag:$0x3] =	sbarrier.arrive $0xFFFF  }
0x8e: {  	_ =	shalt  }

// kernel: kernel.9.cloned.1.call-start
scs
__scs_entry_jumppad:
0x0: {  	(pc) =	sbr.rel $0x88, $3  }
0x1: {  	(tag) =	ssettag $0x0;
	lr =	simm.s32 $0x1  }
0x2: {  	[smem:$0x3F9B] =	sst lr;
	_ =	strace $0xD0000000  }
0x3: {  	_ = 	snop  }
0x4: {  	_ = 	snop  }
0x5: {  	_ = 	snop  }
0x6: {  	_ = 	snop  }
0x7: {  	_ = 	snop  }
__scs_overlays_trampoline_lowered:
0x8: {  	[smem:$0x3FAA] =	sst s0  }
0x9: {  	[smem:$0x3FAB] =	sst s1  }
0xa: {  	[smem:$0x3FAC] =	sst s2  }
0xb: {  	[smem:$0x3FAD] =	sst s3  }
0xc: {  	[smem:$0x3FAE] =	sst s4  }
0xd: {  	[smem:$0x3FAF] =	sst s5  }
0xe: {  	[smem:$0x3FB0] =	sst s6  }
0xf: {  	[smem:$0x3FB1] =	sst s7  }
0x10: {  	[smem:$0x3FB2] =	sst s8  }
0x11: {  	[smem:$0x3FB3] =	sst s9;
	s0 =	simm.s32 @!p0 $0x0  }
0x12: {  	s1 =	sld [smem:$0x3F99];
	s0 =	simm.s32 @p0 $0x1  }
0x13: {  	[smem:$0x3FB4] =	sst s0;
	s0 =	simm.s32 @!p1 $0x0  }
0x14: {  	s2 =	sld [smem:$0x3F98];
	s0 =	simm.s32 @p1 $0x1  }
0x15: {  	[smem:$0x3FB5] =	sst s0;
	s0 =	simm.s32 @!p2 $0x0  }
0x16: {  	s3 =	sld [smem:$0x3FDB];
	s0 =	simm.s32 @p2 $0x1  }
0x17: {  	s4 =	simm.s32 $0x1BF5;
	[smem:$0x3FB7] =	sst s0  }
0x18: {  	s0 =	sld [smem:$0x3F9A];
	_ =	swait.ge [sflag:s4], $0x0  }
0x19: {  	s7 =	sld [smem:$0x3F9B]  }
0x1a: {  	s8 =	sadd.s32 $0xFFFFE003, lr  }
0x1b: {  	s9 =	sadd.s32 $0xFFFFFEF7, lr;
	s5 =	simm.s32 $0xFFFFFFFF;
	p2 =	slt.u32 s8, $0xFFFFF086  }
0x1c: {  	p1 =	slt.u32 s9, $0xF7A;
	s5 =	simm.s32 @!p2 $0x0  }
0x1d: {  	s5 =	simm.s32 @p1 $0x1;
	p0 =	seq.s32 s7, s2  }
0x1e: {  	s7 =	smul.u32 @!p0 $0xF7A, s2;
	p2 =	seq.s32 @!p0 s5, $0x0  }
0x1f: {  	s9 =	smul.u32 $0xF7A, s1;
	s8 =	simm.s32 @!p0 $0x1BF5;
	p2 =	por !p2, p0  }
0x20: {  	[sflag:s8] =	ssyncset.s32 @!p0 $0xFFFFF086;
	s6 =	sadd.s32 @!p0 s3, s7;
	s7 =	simm.s32 @!p0 $0x108  }
0x21: {  	s3 =	sadd.s32 s3, s9;
	s6 =	sadd.s32 @!p0 $0x88, s6;
	s7 =	simm.s32 @p2 $0x1082  }
0x22: {  	[simem:s7], [sflag:s8] =	dma.local @!p0 [hbm:s6], $0xF7A  }
0x23: {  	s9 =	sor.u32 $0xD0000000, s2;
	s6 =	simm.s32 $0x108;
	_ =	swait.ge @!p0 [sflag:s8], $0x0  }
0x24: {  	s3 =	sadd.s32 $0x88, s3;
	s6 =	simm.s32 @!p1 $0x1082;
	[sflag:s4] =	ssyncset.s32 $0xFFFFF086  }
0x25: {  	[simem:s6], [sflag:s4] =	dma.local [hbm:s3], $0xF7A  }
0x26: {  	[smem:$0x3F9B] =	sst s1;
	(tag) =	ssettag s2;
	_ =	strace s9  }
0x27: {  	s1 =	sld [smem:$0x3FAB]  }
0x28: {  	s2 =	sld [smem:$0x3FAC]  }
0x29: {  	s4 =	sld [smem:$0x3FAE]  }
0x2a: {  	p0 =	seq.s32 s5, $0x0;
	s5 =	sld [smem:$0x3FAF]  }
0x2b: {  	s6 =	sld [smem:$0x3FB0]  }
0x2c: {  	s7 =	sld [smem:$0x3FB1]  }
0x2d: {  	s3 =	simm.s32 $0x108;
	s8 =	sld [smem:$0x3FB2]  }
0x2e: {  	s3 =	simm.s32 @!p0 $0x1082;
	s9 =	sld [smem:$0x3FB3]  }
0x2f: {  	lr =	sadd.s32 s0, s3;
	s0 =	sld [smem:$0x3FAA]  }
0x30: {  	s3 =	sld [smem:$0x3FAD]  }
0x31: {  	[smem:$0x3FB6] =	sst s10  }
0x32: {  	s10 =	sld [smem:$0x3FB4];
	_ =	sdelay $0x3  }
0x33: {  	p0 =	seq.s32 s10, $0x1;
	s10 =	sld [smem:$0x3FB6];
	_ =	sdelay $0x3  }
0x34: {  	[smem:$0x3FB6] =	sst s10  }
0x35: {  	s10 =	sld [smem:$0x3FB5];
	_ =	sdelay $0x3  }
0x36: {  	p1 =	seq.s32 s10, $0x1;
	s10 =	sld [smem:$0x3FB6];
	_ =	sdelay $0x3  }
0x37: {  	[smem:$0x3FB6] =	sst s10  }
0x38: {  	s10 =	sld [smem:$0x3FB7]  }
0x39: {  	_ = 	snop;
	(pc) =	sbr.ind lr, $3  }
0x3a: {  	_ = 	snop  }
0x3b: {  	_ = 	snop  }
0x3c: {  	p2 =	seq.s32 s10, $0x1;
	s10 =	sld [smem:$0x3FB6]  }
0x3d: {  	_ =	shalt  }
0x3e: {  	_ =	shalt  }
0x3f: {  	_ =	shalt  }
0x40: {  	_ =	shalt  }
0x41: {  	_ =	shalt  }
0x42: {  	_ =	shalt  }
0x43: {  	_ =	shalt  }
0x44: {  	_ =	shalt  }
0x45: {  	_ =	shalt  }
0x46: {  	_ =	shalt  }
0x47: {  	_ =	shalt  }
0x48: {  	_ =	shalt  }
0x49: {  	_ =	shalt  }
0x4a: {  	_ =	shalt  }
0x4b: {  	_ =	shalt  }
0x4c: {  	_ =	shalt  }
0x4d: {  	_ =	shalt  }
0x4e: {  	_ =	shalt  }
0x4f: {  	_ =	shalt  }
0x50: {  	_ =	shalt  }
0x51: {  	_ =	shalt  }
0x52: {  	_ =	shalt  }
0x53: {  	_ =	shalt  }
0x54: {  	_ =	shalt  }
0x55: {  	_ =	shalt  }
0x56: {  	_ =	shalt  }
0x57: {  	_ =	shalt  }
0x58: {  	_ =	shalt  }
0x59: {  	_ =	shalt  }
0x5a: {  	_ =	shalt  }
0x5b: {  	_ =	shalt  }
0x5c: {  	_ =	shalt  }
0x5d: {  	_ =	shalt  }
0x5e: {  	_ =	shalt  }
0x5f: {  	_ =	shalt  }
0x60: {  	_ =	shalt  }
0x61: {  	_ =	shalt  }
0x62: {  	_ =	shalt  }
0x63: {  	_ =	shalt  }
0x64: {  	_ =	shalt  }
0x65: {  	_ =	shalt  }
0x66: {  	_ =	shalt  }
0x67: {  	_ =	shalt  }
0x68: {  	_ =	shalt  }
0x69: {  	_ =	shalt  }
0x6a: {  	_ =	shalt  }
0x6b: {  	_ =	shalt  }
0x6c: {  	_ =	shalt  }
0x6d: {  	_ =	shalt  }
0x6e: {  	_ =	shalt  }
0x6f: {  	_ =	shalt  }
0x70: {  	_ =	shalt  }
0x71: {  	_ =	shalt  }
0x72: {  	_ =	shalt  }
0x73: {  	_ =	shalt  }
0x74: {  	_ =	shalt  }
0x75: {  	_ =	shalt  }
0x76: {  	_ =	shalt  }
0x77: {  	_ =	shalt  }
0x78: {  	_ =	shalt  }
0x79: {  	_ =	shalt  }
0x7a: {  	_ =	shalt  }
0x7b: {  	_ =	shalt  }
0x7c: {  	_ =	shalt  }
0x7d: {  	_ =	shalt  }
0x7e: {  	_ =	shalt  }
0x7f: {  	_ =	shalt  }
0x80: {  	_ =	shalt  }
0x81: {  	_ =	shalt  }
0x82: {  	_ =	shalt  }
0x83: {  	_ =	shalt  }
0x84: {  	_ =	shalt  }
0x85: {  	_ =	shalt  }
0x86: {  	_ =	shalt  }
0x87: {  	_ =	shalt  }
.Lfunc_end0:
.L_simem_size_0:
called_computation_lowered:
.L_overlay_start_0:
0x88: {  	s2 =	sld [smem:$0x3FD9]  }
0x89: {  	s3 =	sld [smem:$0x3FFE];
	_ =	sdelay $0x1  }
0x8a: {  	s1 =	srdreg.scid  }
0x8b: {  	s0 =	sand.u32 $0x1, s1  }
0x8c: {  	s17 =	sshll.u32 s0, $0xA;
	s2 =	sadd.s32 s3, s2  }
0x8d: {  	s2 =	sadd.s32 s2, s17  }
0x8e: {  	[smem:$0x3FC2] =	sst s2  }
0x8f: {  	_ = 	snop  }
0x90: {  	s2 =	sld [smem:$0x3FD0];
	(tm) =	ssettm $0x1  }
0x91: {  	s18 =	sld [smem:$0x3FFB];
	_ =	sdelay $0x3  }
0x92: {  	_ =	strace s18  }
0x93: {  	s3 =	sld [smem:$0x3FFC];
	_ =	sdelay $0x3  }
0x94: {  	_ =	strace s3  }
0x95: {  	s3 =	sld [smem:$0x3FFD];
	_ =	sdelay $0x3  }
0x96: {  	_ =	strace s3  }
0x97: {  	_ =	strace $0x8FFFFFFF  }
0x98: {  	s19 =	sld [smem:$0x3FDB];
	_ =	sdelay $0x1  }
0x99: {  	s4 =	simm.s32 $_scs_section_size  }
0x9a: {  	s5 =	simm.s32 $_size__tile_overlayer_lowered;
	s6 =	simm.s32 $_tile_overlayer_lowered  }
0x9b: {  	s22 =	simm.s32 $0x1BFF;
	s21 =	sshll.u32 s6, $0x1;
	s3 =	sadd.s32 s4, s19  }
0x9c: {  	s7 =	simm.s32 $0x0;
	s20 =	sshll.u32 s5, $0x1;
	s5 =	sadd.s32 s21, s3  }
0x9d: {  	[timem:s7], [sflag:s22] =	dma.local [hbm:s5], s20  }
0x9e: {  	_ =	swait.ge [sflag:s22], s20  }
0x9f: {  	s4 =	ssub.s32 $0x0, s20;
	[sflag:s22] =	ssyncset.done $0x0  }
0xa0: {  	[sflag:s22] =	ssyncadd.s32 s4;
	_ =	sdelay $0x1  }
0xa1: {  	s23 =	simm.s32 $0x1B8B  }
0xa2: {  	_ =	swait.ge [sflag:s23], $0x1  }
0xa3: {  	[sflag:s23] =	ssyncset.done $0x0  }
0xa4: {  	s25 =	simm.s32 $0x1B8E;
	s24 =	sld [smem:$0x3FFE];
	[sflag:s23] =	ssyncadd.s32 $0xFFFFFFFF  }
0xa5: {  	s26 =	simm.s32 $execute0_lowered;
	[smem:$0x3FD2] =	sst s25  }
0xa6: {  	s5 =	sshll.u32 s26, $0x1;
	_ =	strace $0x80000046;
	[dreg:$0x1] =	wrdreg $0xFFFFFFFF  }
0xa7: {  	s28 =	simm.s32 $_size_execute0_lowered;
	s3 =	sadd.s32 s3, s5;
	[dreg:$0x0] =	wrdreg $0x0  }
0xa8: {  	s5 =	sshll.u32 s28, $0x1;
	[dreg:$0x2] =	wrdreg s3  }
0xa9: {  	[dreg:$0x3] =	wrdreg s5  }
0xaa: {  	[dreg:$0x4] =	wrdreg $0xC0  }
0xab: {  	_ =	task [dreg:s7], $0x5FFFF  }
0xac: {  	[dreg:$0x1] =	wrdreg $0xFFFFFFFF  }
0xad: {  	[dreg:$0x0] =	wrdreg $0x60  }
0xae: {  	[dreg:$0x2] =	wrdreg s24  }
0xaf: {  	[dreg:$0x3] =	wrdreg s2  }
0xb0: {  	[dreg:$0x4] =	wrdreg $0x0  }
0xb1: {  	[dreg:$0x5] =	wrdreg $0x9  }
0xb2: {  	_ =	task.clear_ibuf [dreg:s7], $0x6FFFF;
	_ =	strace $0x90000046  }
0xb3: {  	s29 =	simm.s32 $0x9;
	_ =	strace $0x80000048  }
0xb4: {  	_ =	swait.ge [sflag:s29], $0x1  }
0xb5: {  	[sflag:s29] =	ssyncadd.s32 $0xFFFFFFFF  }
0xb6: {  	_ =	strace $0x90000048  }
0xb7: {  	_ =	sfence  }
0xb8: {  	s30 =	sld [smem:$0x0];
	_ =	sdelay $0x2  }
0xb9: {  	s31 =	sshll.u32 s1, $0xD;
	s1 =	sshrl.u32 s1, $0x2  }
0xba: {  	s3 =	sand.u32 $0x4000, s31;
	s1 =	sadd.s32 s1, s30  }
0xbb: {  	s0 =	sor.u32 s3, s0;
	s1 =	sshll.u32 s1, $0x11  }
0xbc: {  	s0 =	sor.u32 s1, s0  }
0xbd: {  	s0 =	sadd.s32 $0x8F2B, s0  }
0xbe: {  	[sflag:s0] =	ssyncadd.remote.s32 $0x1  }
0xbf: {  	_ =	sfence.sel $0xFFFF  }
0xc0: {  	[dreg:$0x0] =	wrdreg $0xFFFFFFFF;
	(pc) =	sbr.abs _section_cstart, $3  }
0xc1: {  	[dreg:$0x1] =	wrdreg $0xFFFFFFFF  }
0xc2: {  	_ =	task.clear_ibuf [dreg:s7], $0x2FFFF;
	_ =	strace $0x9FFFFFFF  }
0xc3: {  	(tm) =	ssettm $0x7FFFFFFF  }
tec
execute0_lowered:
.L_overlay_start_1:
0x0: {  	(tag) =	ssettag $0x1  }
0x1: {  	s4 =	rddreg [dreg:$0x0]  }
0x2: {  	s7 =	rddreg [dreg:$0x1]  }
0x3: {  	s1 =	rddreg [dreg:$0x2]  }
0x4: {  	s2 =	srdreg.scid;
	s0 =	rddreg [dreg:$0x3]  }
0x5: {  	s3 =	simm.s32 $0x0;
	s13 =	simm.s32 $0x2710;
	s14 =	simm.s32 $0x50  }
0x6: {  	s15 =	simm.s32 $0x0;
	s5 =	sand.u32 $0x1, s2;
	s2 =	stileid.u32  }
0x7: {  	[smem:$0x7FF] =	sst s3;
	s6 =	sshll.u32 s5, $0x4;
	s8 =	smul.u32 $0x3E80, s2  }
0x8: {  	_ =	strace $0x80000047;
	s10 =	ssub.s32 $0x2, s5;
	s5 =	smul.u32 $0x27100, s5  }
0x9: {  	p0 =	sgt.u32 s2, $0x9;
	s6 =	sor.u32 s2, s6;
	s11 =	sshrl.u32 s10, $0x1  }
0xa: {  	s6 =	smul.u32 $0x4E2, s6;
	s9 =	sshrl.u32 s8, $0x3;
	s10 =	ssub.s32 s10, s11  }
0xb: {  	s30 =	sadd.s32 s8, s5;
	s12 =	sadd.s32 s8, s1;
	s11 =	sshll.u32 @!p0 s2, $0x6  }
0xc: {  	s9 =	sadd.s32 s9, s4;
	s31 =	sshrl.u32 s30, $0x3;
	s8 =	smax.u32 s10, $0x1  }
0xd: {  	s10 =	simm.s32 $0x1;
	s11 =	sor.u32 @!p0 $0x1C01, s11;
	s12 =	sshrl.u32 @!p0 s12, $0x3  }
0xe: {  	s6 =	sadd.s32 s6, s4;
	s4 =	sadd.s32 $0x16A00, s4;
	s5 =	sadd.s32 $0x16C00, s9  }
0xf: {  	s7 =	sadd.s32 s7, s31;
	s9 =	simm.s32 $0x4E20;
	s6 =	sadd.s32 $0xCC00, s6  }
.LBB2_1:
0x10: {  	[tilespmem:s9], [sflag:$0x1] =	stream.linear.gather [hbm4b:s4+s3], $0x500, $0x38;
	[tilespmem:$0x5320] =	vst v63  }
0x11: {  	_ =	swait.ge [sflag:s10], $0x500  }
0x12: {  	[sflag:s10] =	ssyncset.done $0x0  }
0x13: {  	s16 =	simm.s32 @!p0 $0x1;
	[sflag:s10] =	ssyncadd.s32 $0xFFFFFB00  }
0x14: {  	[spmem:s12], [sflag:s11] =	dma.local @!p0 [hbm:s5], $0x7D0  }
0x15: {  	_ =	swait.ge @!p0 [sflag:s16], $0x7D0  }
0x16: {  	[sflag:s16] =	ssyncset.done @!p0 $0x0  }
0x17: {  	[sflag:s16] =	ssyncadd.s32 @!p0 $0xFFFFF830  }
0x18: {  	[bflag:$0x0] =	sbarrier.arrive $0xFFFF  }
0x19: {  	[tilespmem:s13], [sflag:$0x1] =	stream.linear.gather [hbm4b:s6+s3], $0x2710, $0x38;
	[tilespmem:$0x5320] =	vst v63  }
0x1a: {  	_ =	swait.ge [sflag:s10], $0x2710  }
0x1b: {  	[sflag:s10] =	ssyncset.done $0x0  }
0x1c: {  	s31 =	simm.s32 $0x2710;
	[sflag:s10] =	ssyncadd.s32 $0xFFFFD8F0  }
0x1d: {  	[spmem:s1] =	stream.indirect.scatter.add.f32 [tilespmem:s9], [sflag:$0x1], $0x10, s31, s14, $0xb8;
	[tilespmem:$0x5320] =	vst v63  }
0x1e: {  	s16 =	simm.s32 $0x140;
	_ =	swait.ge [sflag:s10], $0x500  }
.LBB2_2:
0x1f: {  	s17 =	sshra.s32 s16, $0x2;
	[sflag:s10] =	ssyncset.done $0x0;
	p1 =	sne.s32 s16, $0x9B00  }
.Ltmp0:
0x20: {  	s17 =	sadd.s32 $0x2710, s17;
	[sflag:s10] =	ssyncadd.s32 $0xFFFFFB00;
	(pc) =	sbr.rel @p1 .LBB2_2-.Ltmp0, $3  }
0x21: {  	[spmem:s1] =	stream.indirect.scatter.add.f32 [tilespmem:s9], [sflag:$0x1], $0x10, s17, s14, $0xb8;
	[tilespmem:$0x5320] =	vst v63  }
0x22: {  	s16 =	sadd.s32 $0x140, s16;
	_ =	sdelay $0x1  }
0x23: {  	_ =	swait.ge [sflag:s10], $0x500  }
0x24: {  	[sflag:s10] =	ssyncset.done $0x0;
	s15 =	sadd.s32 $0x1, s15  }
0x25: {  	[sflag:s10] =	ssyncadd.s32 $0xFFFFFB00;
	p1 =	sne.s32 s15, s8  }
.Ltmp1:
0x26: {  	s16 =	simm.s32 @!p0 $0x1;
	[bflag:$0x0] =	sbarrier.arrive $0xFFFF;
	(pc) =	sbr.rel @p1 .LBB2_1-.Ltmp1, $4  }
0x27: {  	[hbm:s7], [sflag:s11] =	dma.local @!p0 [spmem:s12], $0x7D0  }
0x28: {  	_ =	swait.ge @!p0 [sflag:s16], $0x7D0  }
0x29: {  	[sflag:s16] =	ssyncset.done @!p0 $0x0  }
0x2a: {  	[sflag:s16] =	ssyncadd.s32 @!p0 $0xFFFFF830  }
0x2b: {  	_ =	sfence.sel $0x180000  }
0x2c: {  	[bflag:$0x0] =	sbarrier.arrive $0xFFFF  }
0x2d: {  	p0 =	sne.s32 s2, $0x0;
	_ =	strace $0x90000047  }
0x2e: {  	s0 =	sadd.s32 @!p0 $0x100000, s0;
	[bflag:$0x2] =	sbarrier.arrive $0xFFFF  }
0x2f: {  	[sflag:s0] =	ssyncadd.tile.s32 @!p0 $0x1;
	_ =	shalt  }
.Lfunc_end2:
_tile_overlayer_lowered:
.L_overlay_start_2:
0x30: {  	(tag) =	ssettag $0x2  }
0x31: {  	s0 =	rddreg [dreg:$0x0];
	s2 =	stileid.u32  }
0x32: {  	s1 =	rddreg [dreg:$0x1];
	p0 =	sne.s32 s2, $0x0  }
0x33: {  	s3 =	rddreg [dreg:$0x2];
	[bflag:$0x3] =	sbarrier.arrive $0xFFFF;
	s2 =	simm.s32 @!p0 $0x1C01  }
0x34: {  	[timem:s3], [sflag:s2] =	dma.local @!p0 [hbm:s0], s1  }
0x35: {  	s0 =	simm.s32 @!p0 $0x1  }
0x36: {  	_ =	swait.ge @!p0 [sflag:s0], s1  }
0x37: {  	s1 =	ssub.s32 @!p0 $0x0, s1;
	[sflag:s0] =	ssyncset.done @!p0 $0x0  }
0x38: {  	[sflag:s0] =	ssyncadd.s32 @!p0 s1  }
0x39: {  	[bflag:$0x3] =	sbarrier.arrive $0xFFFF  }
0x3a: {  	_ =	shalt  }

</sc_bundles>
